<compile_context>
chip_gen: v7x
topology: tpu7x:2x2x1
jax: 0.10.2.dev20260603
libtpu: 0.0.44.dev20260713+nightly
codegen_flags: <defaults>
</compile_context>

<pallas_src>
import functools

import jax
import jax.numpy as jnp
from jax import lax
from jax.experimental import pallas as pl
from jax.experimental.pallas import tpu as pltpu
from jax.experimental.pallas import tpu_sc as plsc

N_NODES = 10000
N_EDGES = 320000
D_IN = 128
D_OUT = 128
N_REL = 3

NC = 2
NS = 16
L = 16

HALF = D_IN // NC
SEGS = N_REL * N_NODES
EPT = N_EDGES // NS
CH = 80
NCHUNK = EPT // CH
ZSTRIPE = SEGS // NS


def _sc_aggregate(vhalves, adjs, rels, zeros):
    mesh = plsc.VectorSubcoreMesh(core_axis_name="c", subcore_axis_name="s")

    def body(vhalves_hbm, adjs_hbm, rel_hbm, zeros_hbm, out_hbm,
             shared, srcb, dstb, relb, sidxb, rows, semi, semg, sems):
        c = lax.axis_index("c")
        s = lax.axis_index("s")
        base = s * EPT
        vsrc = vhalves_hbm.at[c]

        def issue_idx(j, b):
            off = base + j * CH
            pltpu.async_copy(adjs_hbm.at[0, pl.ds(off, CH)], srcb.at[b],
                             semi.at[b])
            pltpu.async_copy(adjs_hbm.at[1, pl.ds(off, CH)], dstb.at[b],
                             semi.at[b])
            pltpu.async_copy(rel_hbm.at[pl.ds(off, CH)], relb.at[b],
                             semi.at[b])

        def wait_idx(j, b):
            off = base + j * CH
            pltpu.make_async_copy(adjs_hbm.at[0, pl.ds(off, CH)], srcb.at[b],
                                  semi.at[b]).wait()
            pltpu.make_async_copy(adjs_hbm.at[1, pl.ds(off, CH)], dstb.at[b],
                                  semi.at[b]).wait()
            pltpu.make_async_copy(rel_hbm.at[pl.ds(off, CH)], relb.at[b],
                                  semi.at[b]).wait()

        def issue_gather(b):
            pltpu.async_copy(vsrc.at[srcb.at[b]], rows.at[b], semg.at[b])

        def wait_gather(b):
            pltpu.make_async_copy(vsrc.at[srcb.at[b]], rows.at[b],
                                  semg.at[b]).wait()

        def wait_scatter(b):
            pltpu.make_async_copy(rows.at[b], shared.at[sidxb.at[b]],
                                  sems.at[b]).wait()

        pltpu.sync_copy(zeros_hbm.at[pl.ds(s * ZSTRIPE, ZSTRIPE)],
                        shared.at[pl.ds(s * ZSTRIPE, ZSTRIPE)])

        issue_idx(0, 0)
        wait_idx(0, 0)
        issue_gather(0)
        issue_idx(1, 1)

        plsc.subcore_barrier()

        @pl.loop(0, NCHUNK, step=2)
        def _edges(j0):
            for p in range(2):
                j = j0 + p
                n = 1 - p

                @pl.when(j + 1 < NCHUNK)
                def _start_next():
                    wait_idx(j + 1, n)

                    @pl.when(j >= 1)
                    def _recycle():
                        wait_scatter(n)

                    issue_gather(n)

                wait_gather(p)
                for k in range(CH // L):
                    dv = dstb[p, pl.ds(k * L, L)]
                    rv = relb[p, pl.ds(k * L, L)]
                    sidxb[p, pl.ds(k * L, L)] = rv * N_NODES + dv
                pltpu.async_copy(rows.at[p], shared.at[sidxb.at[p]],
                                 sems.at[p], add=True)

                @pl.when(j + 2 < NCHUNK)
                def _prefetch_idx():
                    issue_idx(j + 2, p)

        wait_scatter(0)
        wait_scatter(1)

        plsc.subcore_barrier()
        pltpu.sync_copy(
            shared.at[pl.ds(s * ZSTRIPE, ZSTRIPE)],
            out_hbm.at[pl.ds(s * ZSTRIPE, ZSTRIPE), pl.ds(c * HALF, HALF)])

    run = pl.kernel(
        body,
        out_type=jax.ShapeDtypeStruct((SEGS, D_IN), jnp.float32),
        mesh=mesh,
        scratch_types=[
            pltpu.VMEM_SHARED((SEGS, HALF), jnp.float32),
            pltpu.VMEM((2, CH), jnp.int32),
            pltpu.VMEM((2, CH), jnp.int32),
            pltpu.VMEM((2, CH), jnp.int32),
            pltpu.VMEM((2, CH), jnp.int32),
            pltpu.VMEM((2, CH, HALF), jnp.float32),
            pltpu.SemaphoreType.DMA((2,)),
            pltpu.SemaphoreType.DMA((2,)),
            pltpu.SemaphoreType.DMA((2,)),
        ],
        compiler_params=pltpu.CompilerParams(use_tc_tiling_on_sc=False),
        name="dssconv_sc_aggregate",
    )
    return run(vhalves, adjs, rels, zeros)


def _tc_prep(vfts):
    TILE = 2000
    ZB = (SEGS // 2) // (N_NODES // TILE)

    def body(x_ref, o_ref, z_ref):
        xr = x_ref[...].reshape(TILE // 2, 2 * D_IN)
        o_ref[0] = jnp.concatenate(
            [xr[:, 0:HALF], xr[:, D_IN:D_IN + HALF]], axis=1)
        o_ref[1] = jnp.concatenate(
            [xr[:, HALF:D_IN], xr[:, D_IN + HALF:2 * D_IN]], axis=1)
        z_ref[...] = jnp.zeros((ZB, D_IN), jnp.float32)

    vh, zimg = pl.pallas_call(
        body,
        grid=(N_NODES // TILE,),
        in_specs=[pl.BlockSpec((TILE, D_IN), lambda i: (i, 0))],
        out_specs=[
            pl.BlockSpec((NC, TILE // 2, D_IN), lambda i: (0, i, 0)),
            pl.BlockSpec((ZB, D_IN), lambda i: (i, 0)),
        ],
        out_shape=[
            jax.ShapeDtypeStruct((NC, N_NODES // 2, D_IN), jnp.float32),
            jax.ShapeDtypeStruct((SEGS // 2, D_IN), jnp.float32),
        ],
    )(vfts)
    return vh.reshape(NC, N_NODES, HALF), zimg.reshape(SEGS, HALF)


MTILE = 2000


def _tc_body(x_ref, a0_ref, a1_ref, a2_ref,
             w10_ref, b10_ref, w12_ref, b12_ref,
             w20_ref, b20_ref, w22_ref, b22_ref, out_ref):
    x = x_ref[...]
    aggs = (a0_ref[...], a1_ref[...], a2_ref[...])
    agg_all = aggs[0] + aggs[1] + aggs[2]
    w10, b10 = w10_ref[...], b10_ref[...]
    w12, b12 = w12_ref[...], b12_ref[...]
    w20, b20 = w20_ref[...], b20_ref[...]
    w22, b22 = w22_ref[...], b22_ref[...]
    for r in range(N_REL):
        h1 = jnp.maximum(jnp.dot(x + aggs[r], w10) + b10, 0.0)
        o1 = jnp.dot(h1, w12) + b12
        h2 = jnp.maximum(jnp.dot(x + (agg_all - aggs[r]), w20) + b20, 0.0)
        o2 = jnp.dot(h2, w22) + b22
        out_ref[r] = o1 + o2


def _tc_mlp(vfts, agg, W1_0, b1_0, W1_2, b1_2, W2_0, b2_0, W2_2, b2_2):
    nb = N_NODES // MTILE

    def aspec(r):
        off = r * nb
        return pl.BlockSpec((MTILE, D_IN), lambda i, off=off: (off + i, 0))

    full = lambda shape: pl.BlockSpec(shape, lambda i: (0,) * len(shape))
    out = pl.pallas_call(
        _tc_body,
        grid=(nb,),
        in_specs=[
            pl.BlockSpec((MTILE, D_IN), lambda i: (i, 0)),
            aspec(0), aspec(1), aspec(2),
            full((D_IN, D_OUT)), full((1, D_OUT)),
            full((D_OUT, D_OUT)), full((1, D_OUT)),
            full((D_IN, D_OUT)), full((1, D_OUT)),
            full((D_OUT, D_OUT)), full((1, D_OUT)),
        ],
        out_specs=pl.BlockSpec((N_REL, MTILE, D_OUT), lambda i: (0, i, 0)),
        out_shape=jax.ShapeDtypeStruct((N_REL, N_NODES, D_OUT), jnp.float32),
    )(vfts, agg, agg, agg,
      W1_0, b1_0.reshape(1, -1), W1_2, b1_2.reshape(1, -1),
      W2_0, b2_0.reshape(1, -1), W2_2, b2_2.reshape(1, -1))
    return jnp.transpose(out, (1, 0, 2))


def kernel(vfts, adjs, rels, W1_0, b1_0, W1_2, b1_2, W2_0, b2_0, W2_2, b2_2):
    vhalves, zeros = _tc_prep(vfts)
    agg = _sc_aggregate(vhalves, adjs.astype(jnp.int32),
                        rels.astype(jnp.int32), zeros)
    return _tc_mlp(vfts, agg, W1_0, b1_0, W1_2, b1_2,
                   W2_0, b2_0, W2_2, b2_2)

# --- scband reference (transcript-rebuilt; emitter-appended) ---
"""Pipeline reference for scband-dssconv-excl-73899207295274 (READ-ONLY COPY).

The authoritative reference and input builder live on the scoring server;
editing this copy changes nothing except your own understanding.
"""

import jax, jax.numpy as jnp
import numpy as np

N_NODES = 10000
N_EDGES = 320000
D_IN = 128
D_OUT = 128
N_REL = 3


def setup_inputs(seed: int = 0) -> dict:
    key = jax.random.key(seed)
    ks = jax.random.split(key, 12)
    vfts = jax.random.normal(ks[0], (N_NODES, D_IN), dtype=jnp.float32)
    adjs = jax.random.randint(ks[1], (2, N_EDGES), 0, N_NODES)
    rels = jax.random.randint(ks[2], (N_EDGES,), 0, N_REL)
    s = 0.05
    W1_0 = jax.random.normal(ks[3], (D_IN, D_OUT), dtype=jnp.float32) * s
    b1_0 = jnp.zeros((D_OUT,), dtype=jnp.float32)
    W1_2 = jax.random.normal(ks[4], (D_OUT, D_OUT), dtype=jnp.float32) * s
    b1_2 = jnp.zeros((D_OUT,), dtype=jnp.float32)
    W2_0 = jax.random.normal(ks[5], (D_IN, D_OUT), dtype=jnp.float32) * s
    b2_0 = jnp.zeros((D_OUT,), dtype=jnp.float32)
    W2_2 = jax.random.normal(ks[6], (D_OUT, D_OUT), dtype=jnp.float32) * s
    b2_2 = jnp.zeros((D_OUT,), dtype=jnp.float32)
    return {"vfts": vfts, "adjs": adjs, "rels": rels,
            "W1_0": W1_0, "b1_0": b1_0, "W1_2": W1_2, "b1_2": b1_2,
            "W2_0": W2_0, "b2_0": b2_0, "W2_2": W2_2, "b2_2": b2_2}


def _gin(x, src, dst, mask, W0, b0, W2, b2, num_nodes):
    # GINConv (eps=0, train_eps=False): nn((1+eps)*x + sum_{j in N(i)} x_j)
    # Edge subset via boolean mask realized as masked scatter-add (math-equivalent
    # to PyG's adjs[:, rels == r] slicing).
    msgs = x[src] * mask[:, None]
    agg = jax.ops.segment_sum(msgs, dst, num_segments=num_nodes)
    h = x + agg
    h = jax.nn.relu(h @ W0 + b0)
    return h @ W2 + b2


def reference(vfts, adjs, rels, W1_0, b1_0, W1_2, b1_2, W2_0, b2_0, W2_2, b2_2):
    num_nodes = vfts.shape[0]
    src = adjs[0]
    dst = adjs[1]
    outs = []
    for r in range(N_REL):
        mask_r = (rels == r).astype(vfts.dtype)
        mask_nr = (rels != r).astype(vfts.dtype)
        vrps1 = _gin(vfts, src, dst, mask_r, W1_0, b1_0, W1_2, b1_2, num_nodes)
        vrps2 = _gin(vfts, src, dst, mask_nr, W2_0, b2_0, W2_2, b2_2, num_nodes)
        outs.append(vrps1 + vrps2)
    vrps = jnp.stack(outs, axis=1)  # [N, num_relations, num_outputs]
    return vrps

if __name__ == "__main__":
    import jax
    _d = setup_inputs()
    print(jax.jit(kernel)(*tuple(_d.values())))

</pallas_src>

<mosaic_0001>
#map = affine_map<(d0, d1) -> (0, 0, 0)>
#map1 = affine_map<(d0, d1) -> (0, 0)>
#map2 = affine_map<(d0, d1) -> (0)>
module attributes {stable_mosaic.version = 14 : i64} {
  func.func @dssconv_sc_aggregate(%arg0: i32, %arg1: i32, %arg2: memref<2x10000x64xf32, #tpu.memory_space<hbm>>, %arg3: memref<2x320000xi32, #tpu.memory_space<hbm>>, %arg4: memref<320000xi32, #tpu.memory_space<hbm>>, %arg5: memref<30000x64xf32, #tpu.memory_space<hbm>>, %arg6: memref<30000x128xf32, #tpu.memory_space<hbm>>, %arg7: memref<30000x64xf32, #tpu.memory_space<vmem_shared>>, %arg8: memref<2x80xi32, #tpu.memory_space<vmem>>, %arg9: memref<2x80xi32, #tpu.memory_space<vmem>>, %arg10: memref<2x80xi32, #tpu.memory_space<vmem>>, %arg11: memref<2x80xi32, #tpu.memory_space<vmem>>, %arg12: memref<2x80x64xf32, #tpu.memory_space<vmem>>, %arg13: memref<2x!tpu.dma_semaphore, #tpu.memory_space<semaphore_mem>>, %arg14: memref<2x!tpu.dma_semaphore, #tpu.memory_space<semaphore_mem>>, %arg15: memref<2x!tpu.dma_semaphore, #tpu.memory_space<semaphore_mem>>) attributes {dimension_semantics = [#tpu.dimension_semantics<core_parallel>, #tpu.dimension_semantics<subcore_parallel>], iteration_bounds = array<i64: 2, 16>, scalar_prefetch = 0 : i64, scratch_operands = 9 : i64, tpu.core_type = #tpu.core_type<sc_vector_subcore>, window_params = [{transform_indices = #map}, {transform_indices = #map1}, {transform_indices = #map2}, {transform_indices = #map1}, {transform_indices = #map1}]} {
    %mul3A = arith.constant 20000 : i32
    %mul3A_0 = arith.muli %arg1, %mul3A : i32
    %mul3A_1 = arith.constant 1875 : i32
    %mul3A_2 = arith.muli %arg1, %mul3A_1 : i32
    %mul3A_3 = arith.constant 1875 : i32
    %mul3A_4 = arith.muli %arg1, %mul3A_3 : i32
    "tpu.region"() ({
      %run_scoped3A = tpu.sem_alloc : memref<!tpu.dma_semaphore, #tpu.memory_space<semaphore_mem>>
      %dma_start3A_194 = arith.constant 0 : i32
      %dma_start3A_195 = tpu.memref_slice %arg7[%mul3A_4, %dma_start3A_194] : memref<30000x64xf32, #tpu.memory_space<vmem_shared>> -> memref<1875x64xf32, #tpu.memory_space<vmem_shared>>
      %dma_start3A_196 = arith.constant 0 : i32
      %dma_start3A_197 = tpu.memref_slice %arg5[%mul3A_2, %dma_start3A_196] : memref<30000x64xf32, #tpu.memory_space<hbm>> -> memref<1875x64xf32, #tpu.memory_space<hbm>>
      tpu.enqueue_dma source(%dma_start3A_197 : memref<1875x64xf32, #tpu.memory_space<hbm>>) target(%dma_start3A_195 : memref<1875x64xf32, #tpu.memory_space<vmem_shared>>) target_semaphore(%run_scoped3A : memref<!tpu.dma_semaphore, #tpu.memory_space<semaphore_mem>>)
      %dma_wait3A_198 = arith.constant 0 : i32
      %dma_wait3A_199 = tpu.memref_slice %arg7[%mul3A_4, %dma_wait3A_198] : memref<30000x64xf32, #tpu.memory_space<vmem_shared>> -> memref<1875x64xf32, #tpu.memory_space<vmem_shared>>
      %dma_wait3A_200 = arith.constant 0 : i32
      %dma_wait3A_201 = tpu.memref_slice %arg5[%mul3A_2, %dma_wait3A_200] : memref<30000x64xf32, #tpu.memory_space<hbm>> -> memref<1875x64xf32, #tpu.memory_space<hbm>>
      tpu.wait_dma2 semaphore(%run_scoped3A : memref<!tpu.dma_semaphore, #tpu.memory_space<semaphore_mem>>) src(%dma_wait3A_201 : memref<1875x64xf32, #tpu.memory_space<hbm>>) dst(%dma_wait3A_199 : memref<1875x64xf32, #tpu.memory_space<vmem_shared>>)
      tpu.yield
    }) : () -> ()
    %add3A = arith.constant 0 : i32
    %add3A_5 = arith.addi %mul3A_0, %add3A : i32
    %dma_start3A = arith.constant 0 : i32
    %dma_start3A_6 = arith.constant 0 : i32
    %dma_start3A_7 = arith.constant 0 : i32
    %dma_start3A_8 = arith.constant 0 : i32
    %dma_start3A_9 = tpu.memref_slice %arg8[%dma_start3A_6, %dma_start3A_8] : memref<2x80xi32, #tpu.memory_space<vmem>> -> memref<1x80xi32, #tpu.memory_space<vmem>>
    %dma_start3A_10 = tpu.memref_squeeze %dma_start3A_9 : memref<1x80xi32, #tpu.memory_space<vmem>> -> memref<80xi32, #tpu.memory_space<vmem>>
    %dma_start3A_11 = tpu.memref_slice %arg3[%dma_start3A, %add3A_5] : memref<2x320000xi32, #tpu.memory_space<hbm>> -> memref<1x80xi32, #tpu.memory_space<hbm>>
    %dma_start3A_12 = tpu.memref_squeeze %dma_start3A_11 : memref<1x80xi32, #tpu.memory_space<hbm>> -> memref<80xi32, #tpu.memory_space<hbm>>
    %dma_start3A_13 = tpu.memref_slice %arg13[%dma_start3A_7] : memref<2x!tpu.dma_semaphore, #tpu.memory_space<semaphore_mem>> -> memref<1x!tpu.dma_semaphore, #tpu.memory_space<semaphore_mem>>
    %dma_start3A_14 = tpu.memref_squeeze %dma_start3A_13 : memref<1x!tpu.dma_semaphore, #tpu.memory_space<semaphore_mem>> -> memref<!tpu.dma_semaphore, #tpu.memory_space<semaphore_mem>>
    %dma_start3A_15 = arith.constant 0 : i32
    %dma_start3A_16 = tpu.memref_slice %arg8[%dma_start3A_6, %dma_start3A_15] : memref<2x80xi32, #tpu.memory_space<vmem>> -> memref<1x80xi32, #tpu.memory_space<vmem>>
    %dma_start3A_17 = tpu.memref_squeeze %dma_start3A_16 : memref<1x80xi32, #tpu.memory_space<vmem>> -> memref<80xi32, #tpu.memory_space<vmem>>
    %dma_start3A_18 = tpu.memref_slice %arg3[%dma_start3A, %add3A_5] : memref<2x320000xi32, #tpu.memory_space<hbm>> -> memref<1x80xi32, #tpu.memory_space<hbm>>
    %dma_start3A_19 = tpu.memref_squeeze %dma_start3A_18 : memref<1x80xi32, #tpu.memory_space<hbm>> -> memref<80xi32, #tpu.memory_space<hbm>>
    tpu.enqueue_dma source(%dma_start3A_19 : memref<80xi32, #tpu.memory_space<hbm>>) target(%dma_start3A_17 : memref<80xi32, #tpu.memory_space<vmem>>) target_semaphore(%dma_start3A_14 : memref<!tpu.dma_semaphore, #tpu.memory_space<semaphore_mem>>)
    %dma_start3A_20 = arith.constant 1 : i32
    %dma_start3A_21 = arith.constant 0 : i32
    %dma_start3A_22 = arith.constant 0 : i32
    %dma_start3A_23 = arith.constant 0 : i32
    %dma_start3A_24 = tpu.memref_slice %arg9[%dma_start3A_21, %dma_start3A_23] : memref<2x80xi32, #tpu.memory_space<vmem>> -> memref<1x80xi32, #tpu.memory_space<vmem>>
    %dma_start3A_25 = tpu.memref_squeeze %dma_start3A_24 : memref<1x80xi32, #tpu.memory_space<vmem>> -> memref<80xi32, #tpu.memory_space<vmem>>
    %dma_start3A_26 = tpu.memref_slice %arg3[%dma_start3A_20, %add3A_5] : memref<2x320000xi32, #tpu.memory_space<hbm>> -> memref<1x80xi32, #tpu.memory_space<hbm>>
    %dma_start3A_27 = tpu.memref_squeeze %dma_start3A_26 : memref<1x80xi32, #tpu.memory_space<hbm>> -> memref<80xi32, #tpu.memory_space<hbm>>
    %dma_start3A_28 = tpu.memref_slice %arg13[%dma_start3A_22] : memref<2x!tpu.dma_semaphore, #tpu.memory_space<semaphore_mem>> -> memref<1x!tpu.dma_semaphore, #tpu.memory_space<semaphore_mem>>
    %dma_start3A_29 = tpu.memref_squeeze %dma_start3A_28 : memref<1x!tpu.dma_semaphore, #tpu.memory_space<semaphore_mem>> -> memref<!tpu.dma_semaphore, #tpu.memory_space<semaphore_mem>>
    %dma_start3A_30 = arith.constant 0 : i32
    %dma_start3A_31 = tpu.memref_slice %arg9[%dma_start3A_21, %dma_start3A_30] : memref<2x80xi32, #tpu.memory_space<vmem>> -> memref<1x80xi32, #tpu.memory_space<vmem>>
    %dma_start3A_32 = tpu.memref_squeeze %dma_start3A_31 : memref<1x80xi32, #tpu.memory_space<vmem>> -> memref<80xi32, #tpu.memory_space<vmem>>
    %dma_start3A_33 = tpu.memref_slice %arg3[%dma_start3A_20, %add3A_5] : memref<2x320000xi32, #tpu.memory_space<hbm>> -> memref<1x80xi32, #tpu.memory_space<hbm>>
    %dma_start3A_34 = tpu.memref_squeeze %dma_start3A_33 : memref<1x80xi32, #tpu.memory_space<hbm>> -> memref<80xi32, #tpu.memory_space<hbm>>
    tpu.enqueue_dma source(%dma_start3A_34 : memref<80xi32, #tpu.memory_space<hbm>>) target(%dma_start3A_32 : memref<80xi32, #tpu.memory_space<vmem>>) target_semaphore(%dma_start3A_29 : memref<!tpu.dma_semaphore, #tpu.memory_space<semaphore_mem>>)
    %dma_start3A_35 = arith.constant 0 : i32
    %dma_start3A_36 = arith.constant 0 : i32
    %dma_start3A_37 = arith.constant 0 : i32
    %dma_start3A_38 = tpu.memref_slice %arg10[%dma_start3A_35, %dma_start3A_37] : memref<2x80xi32, #tpu.memory_space<vmem>> -> memref<1x80xi32, #tpu.memory_space<vmem>>
    %dma_start3A_39 = tpu.memref_squeeze %dma_start3A_38 : memref<1x80xi32, #tpu.memory_space<vmem>> -> memref<80xi32, #tpu.memory_space<vmem>>
    %dma_start3A_40 = tpu.memref_slice %arg4[%add3A_5] : memref<320000xi32, #tpu.memory_space<hbm>> -> memref<80xi32, #tpu.memory_space<hbm>>
    %dma_start3A_41 = tpu.memref_slice %arg13[%dma_start3A_36] : memref<2x!tpu.dma_semaphore, #tpu.memory_space<semaphore_mem>> -> memref<1x!tpu.dma_semaphore, #tpu.memory_space<semaphore_mem>>
    %dma_start3A_42 = tpu.memref_squeeze %dma_start3A_41 : memref<1x!tpu.dma_semaphore, #tpu.memory_space<semaphore_mem>> -> memref<!tpu.dma_semaphore, #tpu.memory_space<semaphore_mem>>
    %dma_start3A_43 = arith.constant 0 : i32
    %dma_start3A_44 = tpu.memref_slice %arg10[%dma_start3A_35, %dma_start3A_43] : memref<2x80xi32, #tpu.memory_space<vmem>> -> memref<1x80xi32, #tpu.memory_space<vmem>>
    %dma_start3A_45 = tpu.memref_squeeze %dma_start3A_44 : memref<1x80xi32, #tpu.memory_space<vmem>> -> memref<80xi32, #tpu.memory_space<vmem>>
    %dma_start3A_46 = tpu.memref_slice %arg4[%add3A_5] : memref<320000xi32, #tpu.memory_space<hbm>> -> memref<80xi32, #tpu.memory_space<hbm>>
    tpu.enqueue_dma source(%dma_start3A_46 : memref<80xi32, #tpu.memory_space<hbm>>) target(%dma_start3A_45 : memref<80xi32, #tpu.memory_space<vmem>>) target_semaphore(%dma_start3A_42 : memref<!tpu.dma_semaphore, #tpu.memory_space<semaphore_mem>>)
    %add3A_47 = arith.constant 0 : i32
    %add3A_48 = arith.addi %mul3A_0, %add3A_47 : i32
    %dma_wait3A = arith.constant 0 : i32
    %dma_wait3A_49 = arith.constant 0 : i32
    %dma_wait3A_50 = arith.constant 0 : i32
    %dma_wait3A_51 = arith.constant 0 : i32
    %dma_wait3A_52 = tpu.memref_slice %arg8[%dma_wait3A_49, %dma_wait3A_51] : memref<2x80xi32, #tpu.memory_space<vmem>> -> memref<1x80xi32, #tpu.memory_space<vmem>>
    %dma_wait3A_53 = tpu.memref_squeeze %dma_wait3A_52 : memref<1x80xi32, #tpu.memory_space<vmem>> -> memref<80xi32, #tpu.memory_space<vmem>>
    %dma_wait3A_54 = tpu.memref_slice %arg3[%dma_wait3A, %add3A_48] : memref<2x320000xi32, #tpu.memory_space<hbm>> -> memref<1x80xi32, #tpu.memory_space<hbm>>
    %dma_wait3A_55 = tpu.memref_squeeze %dma_wait3A_54 : memref<1x80xi32, #tpu.memory_space<hbm>> -> memref<80xi32, #tpu.memory_space<hbm>>
    %dma_wait3A_56 = tpu.memref_slice %arg13[%dma_wait3A_50] : memref<2x!tpu.dma_semaphore, #tpu.memory_space<semaphore_mem>> -> memref<1x!tpu.dma_semaphore, #tpu.memory_space<semaphore_mem>>
    %dma_wait3A_57 = tpu.memref_squeeze %dma_wait3A_56 : memref<1x!tpu.dma_semaphore, #tpu.memory_space<semaphore_mem>> -> memref<!tpu.dma_semaphore, #tpu.memory_space<semaphore_mem>>
    %dma_wait3A_58 = arith.constant 0 : i32
    %dma_wait3A_59 = tpu.memref_slice %arg8[%dma_wait3A_49, %dma_wait3A_58] : memref<2x80xi32, #tpu.memory_space<vmem>> -> memref<1x80xi32, #tpu.memory_space<vmem>>
    %dma_wait3A_60 = tpu.memref_squeeze %dma_wait3A_59 : memref<1x80xi32, #tpu.memory_space<vmem>> -> memref<80xi32, #tpu.memory_space<vmem>>
    %dma_wait3A_61 = tpu.memref_slice %arg3[%dma_wait3A, %add3A_48] : memref<2x320000xi32, #tpu.memory_space<hbm>> -> memref<1x80xi32, #tpu.memory_space<hbm>>
    %dma_wait3A_62 = tpu.memref_squeeze %dma_wait3A_61 : memref<1x80xi32, #tpu.memory_space<hbm>> -> memref<80xi32, #tpu.memory_space<hbm>>
    tpu.wait_dma2 semaphore(%dma_wait3A_57 : memref<!tpu.dma_semaphore, #tpu.memory_space<semaphore_mem>>) src(%dma_wait3A_62 : memref<80xi32, #tpu.memory_space<hbm>>) dst(%dma_wait3A_60 : memref<80xi32, #tpu.memory_space<vmem>>)
    %dma_wait3A_63 = arith.constant 1 : i32
    %dma_wait3A_64 = arith.constant 0 : i32
    %dma_wait3A_65 = arith.constant 0 : i32
    %dma_wait3A_66 = arith.constant 0 : i32
    %dma_wait3A_67 = tpu.memref_slice %arg9[%dma_wait3A_64, %dma_wait3A_66] : memref<2x80xi32, #tpu.memory_space<vmem>> -> memref<1x80xi32, #tpu.memory_space<vmem>>
    %dma_wait3A_68 = tpu.memref_squeeze %dma_wait3A_67 : memref<1x80xi32, #tpu.memory_space<vmem>> -> memref<80xi32, #tpu.memory_space<vmem>>
    %dma_wait3A_69 = tpu.memref_slice %arg3[%dma_wait3A_63, %add3A_48] : memref<2x320000xi32, #tpu.memory_space<hbm>> -> memref<1x80xi32, #tpu.memory_space<hbm>>
    %dma_wait3A_70 = tpu.memref_squeeze %dma_wait3A_69 : memref<1x80xi32, #tpu.memory_space<hbm>> -> memref<80xi32, #tpu.memory_space<hbm>>
    %dma_wait3A_71 = tpu.memref_slice %arg13[%dma_wait3A_65] : memref<2x!tpu.dma_semaphore, #tpu.memory_space<semaphore_mem>> -> memref<1x!tpu.dma_semaphore, #tpu.memory_space<semaphore_mem>>
    %dma_wait3A_72 = tpu.memref_squeeze %dma_wait3A_71 : memref<1x!tpu.dma_semaphore, #tpu.memory_space<semaphore_mem>> -> memref<!tpu.dma_semaphore, #tpu.memory_space<semaphore_mem>>
    %dma_wait3A_73 = arith.constant 0 : i32
    %dma_wait3A_74 = tpu.memref_slice %arg9[%dma_wait3A_64, %dma_wait3A_73] : memref<2x80xi32, #tpu.memory_space<vmem>> -> memref<1x80xi32, #tpu.memory_space<vmem>>
    %dma_wait3A_75 = tpu.memref_squeeze %dma_wait3A_74 : memref<1x80xi32, #tpu.memory_space<vmem>> -> memref<80xi32, #tpu.memory_space<vmem>>
    %dma_wait3A_76 = tpu.memref_slice %arg3[%dma_wait3A_63, %add3A_48] : memref<2x320000xi32, #tpu.memory_space<hbm>> -> memref<1x80xi32, #tpu.memory_space<hbm>>
    %dma_wait3A_77 = tpu.memref_squeeze %dma_wait3A_76 : memref<1x80xi32, #tpu.memory_space<hbm>> -> memref<80xi32, #tpu.memory_space<hbm>>
    tpu.wait_dma2 semaphore(%dma_wait3A_72 : memref<!tpu.dma_semaphore, #tpu.memory_space<semaphore_mem>>) src(%dma_wait3A_77 : memref<80xi32, #tpu.memory_space<hbm>>) dst(%dma_wait3A_75 : memref<80xi32, #tpu.memory_space<vmem>>)
    %dma_wait3A_78 = arith.constant 0 : i32
    %dma_wait3A_79 = arith.constant 0 : i32
    %dma_wait3A_80 = arith.constant 0 : i32
    %dma_wait3A_81 = tpu.memref_slice %arg10[%dma_wait3A_78, %dma_wait3A_80] : memref<2x80xi32, #tpu.memory_space<vmem>> -> memref<1x80xi32, #tpu.memory_space<vmem>>
    %dma_wait3A_82 = tpu.memref_squeeze %dma_wait3A_81 : memref<1x80xi32, #tpu.memory_space<vmem>> -> memref<80xi32, #tpu.memory_space<vmem>>
    %dma_wait3A_83 = tpu.memref_slice %arg4[%add3A_48] : memref<320000xi32, #tpu.memory_space<hbm>> -> memref<80xi32, #tpu.memory_space<hbm>>
    %dma_wait3A_84 = tpu.memref_slice %arg13[%dma_wait3A_79] : memref<2x!tpu.dma_semaphore, #tpu.memory_space<semaphore_mem>> -> memref<1x!tpu.dma_semaphore, #tpu.memory_space<semaphore_mem>>
    %dma_wait3A_85 = tpu.memref_squeeze %dma_wait3A_84 : memref<1x!tpu.dma_semaphore, #tpu.memory_space<semaphore_mem>> -> memref<!tpu.dma_semaphore, #tpu.memory_space<semaphore_mem>>
    %dma_wait3A_86 = arith.constant 0 : i32
    %dma_wait3A_87 = tpu.memref_slice %arg10[%dma_wait3A_78, %dma_wait3A_86] : memref<2x80xi32, #tpu.memory_space<vmem>> -> memref<1x80xi32, #tpu.memory_space<vmem>>
    %dma_wait3A_88 = tpu.memref_squeeze %dma_wait3A_87 : memref<1x80xi32, #tpu.memory_space<vmem>> -> memref<80xi32, #tpu.memory_space<vmem>>
    %dma_wait3A_89 = tpu.memref_slice %arg4[%add3A_48] : memref<320000xi32, #tpu.memory_space<hbm>> -> memref<80xi32, #tpu.memory_space<hbm>>
    tpu.wait_dma2 semaphore(%dma_wait3A_85 : memref<!tpu.dma_semaphore, #tpu.memory_space<semaphore_mem>>) src(%dma_wait3A_89 : memref<80xi32, #tpu.memory_space<hbm>>) dst(%dma_wait3A_88 : memref<80xi32, #tpu.memory_space<vmem>>)
    %dma_start3A_90 = arith.constant 0 : i32
    %dma_start3A_91 = arith.constant 0 : i32
    %dma_start3A_92 = arith.constant 0 : i32
    %dma_start3A_93 = arith.constant 0 : i32
    %dma_start3A_94 = arith.constant 0 : i32
    %dma_start3A_95 = tpu.memref_slice %arg12[%dma_start3A_91, %dma_start3A_93, %dma_start3A_94] : memref<2x80x64xf32, #tpu.memory_space<vmem>> -> memref<1x80x64xf32, #tpu.memory_space<vmem>>
    %dma_start3A_96 = tpu.memref_squeeze %dma_start3A_95 : memref<1x80x64xf32, #tpu.memory_space<vmem>> -> memref<80x64xf32, #tpu.memory_space<vmem>>
    %dma_start3A_97 = arith.constant 0 : i32
    %dma_start3A_98 = tpu.memref_slice %arg8[%dma_start3A_90, %dma_start3A_97] : memref<2x80xi32, #tpu.memory_space<vmem>> -> memref<1x80xi32, #tpu.memory_space<vmem>>
    %dma_start3A_99 = tpu.memref_squeeze %dma_start3A_98 : memref<1x80xi32, #tpu.memory_space<vmem>> -> memref<80xi32, #tpu.memory_space<vmem>>
    %dma_start3A_100 = arith.constant 0 : i32
    %dma_start3A_101 = arith.constant 0 : i32
    %dma_start3A_102 = tpu.memref_slice %arg2[%arg0, %dma_start3A_100, %dma_start3A_101] : memref<2x10000x64xf32, #tpu.memory_space<hbm>> -> memref<1x10000x64xf32, #tpu.memory_space<hbm>>
    %dma_start3A_103 = tpu.memref_squeeze %dma_start3A_102 : memref<1x10000x64xf32, #tpu.memory_space<hbm>> -> memref<10000x64xf32, #tpu.memory_space<hbm>>
    %dma_start3A_104 = arith.constant 0 : i32
    %dma_start3A_105 = arith.constant 0 : i32
    %dma_start3A_106 = tpu.memref_slice %dma_start3A_103[%dma_start3A_104, %dma_start3A_105] : memref<10000x64xf32, #tpu.memory_space<hbm>> -> memref<10000x64xf32, #tpu.memory_space<hbm>>
    %dma_start3A_107 = tpu.memref_slice %arg14[%dma_start3A_92] : memref<2x!tpu.dma_semaphore, #tpu.memory_space<semaphore_mem>> -> memref<1x!tpu.dma_semaphore, #tpu.memory_space<semaphore_mem>>
    %dma_start3A_108 = tpu.memref_squeeze %dma_start3A_107 : memref<1x!tpu.dma_semaphore, #tpu.memory_space<semaphore_mem>> -> memref<!tpu.dma_semaphore, #tpu.memory_space<semaphore_mem>>
    tpu.enqueue_indirect_dma source(%dma_start3A_106 : memref<10000x64xf32, #tpu.memory_space<hbm>>) target(%dma_start3A_96 : memref<80x64xf32, #tpu.memory_space<vmem>>) offsets(%dma_start3A_99 : memref<80xi32, #tpu.memory_space<vmem>>) semaphore(%dma_start3A_108 : memref<!tpu.dma_semaphore, #tpu.memory_space<semaphore_mem>>)
    %add3A_109 = arith.constant 80 : i32
    %add3A_110 = arith.addi %mul3A_0, %add3A_109 : i32
    %dma_start3A_111 = arith.constant 0 : i32
    %dma_start3A_112 = arith.constant 1 : i32
    %dma_start3A_113 = arith.constant 1 : i32
    %dma_start3A_114 = arith.constant 0 : i32
    %dma_start3A_115 = tpu.memref_slice %arg8[%dma_start3A_112, %dma_start3A_114] : memref<2x80xi32, #tpu.memory_space<vmem>> -> memref<1x80xi32, #tpu.memory_space<vmem>>
    %dma_start3A_116 = tpu.memref_squeeze %dma_start3A_115 : memref<1x80xi32, #tpu.memory_space<vmem>> -> memref<80xi32, #tpu.memory_space<vmem>>
    %dma_start3A_117 = tpu.memref_slice %arg3[%dma_start3A_111, %add3A_110] : memref<2x320000xi32, #tpu.memory_space<hbm>> -> memref<1x80xi32, #tpu.memory_space<hbm>>
    %dma_start3A_118 = tpu.memref_squeeze %dma_start3A_117 : memref<1x80xi32, #tpu.memory_space<hbm>> -> memref<80xi32, #tpu.memory_space<hbm>>
    %dma_start3A_119 = tpu.memref_slice %arg13[%dma_start3A_113] : memref<2x!tpu.dma_semaphore, #tpu.memory_space<semaphore_mem>> -> memref<1x!tpu.dma_semaphore, #tpu.memory_space<semaphore_mem>>
    %dma_start3A_120 = tpu.memref_squeeze %dma_start3A_119 : memref<1x!tpu.dma_semaphore, #tpu.memory_space<semaphore_mem>> -> memref<!tpu.dma_semaphore, #tpu.memory_space<semaphore_mem>>
    %dma_start3A_121 = arith.constant 0 : i32
    %dma_start3A_122 = tpu.memref_slice %arg8[%dma_start3A_112, %dma_start3A_121] : memref<2x80xi32, #tpu.memory_space<vmem>> -> memref<1x80xi32, #tpu.memory_space<vmem>>
    %dma_start3A_123 = tpu.memref_squeeze %dma_start3A_122 : memref<1x80xi32, #tpu.memory_space<vmem>> -> memref<80xi32, #tpu.memory_space<vmem>>
    %dma_start3A_124 = tpu.memref_slice %arg3[%dma_start3A_111, %add3A_110] : memref<2x320000xi32, #tpu.memory_space<hbm>> -> memref<1x80xi32, #tpu.memory_space<hbm>>
    %dma_start3A_125 = tpu.memref_squeeze %dma_start3A_124 : memref<1x80xi32, #tpu.memory_space<hbm>> -> memref<80xi32, #tpu.memory_space<hbm>>
    tpu.enqueue_dma source(%dma_start3A_125 : memref<80xi32, #tpu.memory_space<hbm>>) target(%dma_start3A_123 : memref<80xi32, #tpu.memory_space<vmem>>) target_semaphore(%dma_start3A_120 : memref<!tpu.dma_semaphore, #tpu.memory_space<semaphore_mem>>)
    %dma_start3A_126 = arith.constant 1 : i32
    %dma_start3A_127 = arith.constant 1 : i32
    %dma_start3A_128 = arith.constant 1 : i32
    %dma_start3A_129 = arith.constant 0 : i32
    %dma_start3A_130 = tpu.memref_slice %arg9[%dma_start3A_127, %dma_start3A_129] : memref<2x80xi32, #tpu.memory_space<vmem>> -> memref<1x80xi32, #tpu.memory_space<vmem>>
    %dma_start3A_131 = tpu.memref_squeeze %dma_start3A_130 : memref<1x80xi32, #tpu.memory_space<vmem>> -> memref<80xi32, #tpu.memory_space<vmem>>
    %dma_start3A_132 = tpu.memref_slice %arg3[%dma_start3A_126, %add3A_110] : memref<2x320000xi32, #tpu.memory_space<hbm>> -> memref<1x80xi32, #tpu.memory_space<hbm>>
    %dma_start3A_133 = tpu.memref_squeeze %dma_start3A_132 : memref<1x80xi32, #tpu.memory_space<hbm>> -> memref<80xi32, #tpu.memory_space<hbm>>
    %dma_start3A_134 = tpu.memref_slice %arg13[%dma_start3A_128] : memref<2x!tpu.dma_semaphore, #tpu.memory_space<semaphore_mem>> -> memref<1x!tpu.dma_semaphore, #tpu.memory_space<semaphore_mem>>
    %dma_start3A_135 = tpu.memref_squeeze %dma_start3A_134 : memref<1x!tpu.dma_semaphore, #tpu.memory_space<semaphore_mem>> -> memref<!tpu.dma_semaphore, #tpu.memory_space<semaphore_mem>>
    %dma_start3A_136 = arith.constant 0 : i32
    %dma_start3A_137 = tpu.memref_slice %arg9[%dma_start3A_127, %dma_start3A_136] : memref<2x80xi32, #tpu.memory_space<vmem>> -> memref<1x80xi32, #tpu.memory_space<vmem>>
    %dma_start3A_138 = tpu.memref_squeeze %dma_start3A_137 : memref<1x80xi32, #tpu.memory_space<vmem>> -> memref<80xi32, #tpu.memory_space<vmem>>
    %dma_start3A_139 = tpu.memref_slice %arg3[%dma_start3A_126, %add3A_110] : memref<2x320000xi32, #tpu.memory_space<hbm>> -> memref<1x80xi32, #tpu.memory_space<hbm>>
    %dma_start3A_140 = tpu.memref_squeeze %dma_start3A_139 : memref<1x80xi32, #tpu.memory_space<hbm>> -> memref<80xi32, #tpu.memory_space<hbm>>
    tpu.enqueue_dma source(%dma_start3A_140 : memref<80xi32, #tpu.memory_space<hbm>>) target(%dma_start3A_138 : memref<80xi32, #tpu.memory_space<vmem>>) target_semaphore(%dma_start3A_135 : memref<!tpu.dma_semaphore, #tpu.memory_space<semaphore_mem>>)
    %dma_start3A_141 = arith.constant 1 : i32
    %dma_start3A_142 = arith.constant 1 : i32
    %dma_start3A_143 = arith.constant 0 : i32
    %dma_start3A_144 = tpu.memref_slice %arg10[%dma_start3A_141, %dma_start3A_143] : memref<2x80xi32, #tpu.memory_space<vmem>> -> memref<1x80xi32, #tpu.memory_space<vmem>>
    %dma_start3A_145 = tpu.memref_squeeze %dma_start3A_144 : memref<1x80xi32, #tpu.memory_space<vmem>> -> memref<80xi32, #tpu.memory_space<vmem>>
    %dma_start3A_146 = tpu.memref_slice %arg4[%add3A_110] : memref<320000xi32, #tpu.memory_space<hbm>> -> memref<80xi32, #tpu.memory_space<hbm>>
    %dma_start3A_147 = tpu.memref_slice %arg13[%dma_start3A_142] : memref<2x!tpu.dma_semaphore, #tpu.memory_space<semaphore_mem>> -> memref<1x!tpu.dma_semaphore, #tpu.memory_space<semaphore_mem>>
    %dma_start3A_148 = tpu.memref_squeeze %dma_start3A_147 : memref<1x!tpu.dma_semaphore, #tpu.memory_space<semaphore_mem>> -> memref<!tpu.dma_semaphore, #tpu.memory_space<semaphore_mem>>
    %dma_start3A_149 = arith.constant 0 : i32
    %dma_start3A_150 = tpu.memref_slice %arg10[%dma_start3A_141, %dma_start3A_149] : memref<2x80xi32, #tpu.memory_space<vmem>> -> memref<1x80xi32, #tpu.memory_space<vmem>>
    %dma_start3A_151 = tpu.memref_squeeze %dma_start3A_150 : memref<1x80xi32, #tpu.memory_space<vmem>> -> memref<80xi32, #tpu.memory_space<vmem>>
    %dma_start3A_152 = tpu.memref_slice %arg4[%add3A_110] : memref<320000xi32, #tpu.memory_space<hbm>> -> memref<80xi32, #tpu.memory_space<hbm>>
    tpu.enqueue_dma source(%dma_start3A_152 : memref<80xi32, #tpu.memory_space<hbm>>) target(%dma_start3A_151 : memref<80xi32, #tpu.memory_space<vmem>>) target_semaphore(%dma_start3A_148 : memref<!tpu.dma_semaphore, #tpu.memory_space<semaphore_mem>>)
    %barrier3A = arith.constant 0 : index
    tpu.barrier barrier_id(%barrier3A)
    %scan3A = arith.constant 0 : i32
    %scan3A_153 = arith.constant 125 : i32
    %scan3A_154 = arith.addi %scan3A, %scan3A_153 : i32
    %scan3A_155 = arith.constant 1 : i32
    scf.for %scan3A_194 = %scan3A to %scan3A_154 step %scan3A_155  : i32 {
      %mul3A_195 = arith.constant 2 : i32
      %mul3A_196 = arith.muli %scan3A_194, %mul3A_195 : i32
      %add3A_197 = arith.constant 0 : i32
      %add3A_198 = arith.addi %add3A_197, %mul3A_196 : i32
      %add3A_199 = arith.constant 0 : i32
      %add3A_200 = arith.addi %add3A_198, %add3A_199 : i32
      %add3A_201 = arith.constant 1 : i32
      %add3A_202 = arith.addi %add3A_200, %add3A_201 : i32
      %lt3A = arith.constant 250 : i32
      %lt3A_203 = arith.cmpi slt, %add3A_202, %lt3A : i32
      %convert_element_type3A = arith.extui %lt3A_203 : i1 to i32
      %cond3A = arith.constant 0 : i32
      %cond3A_204 = arith.cmpi ne, %convert_element_type3A, %cond3A : i32
      scf.if %cond3A_204 {
        %add3A_494 = arith.constant 1 : i32
        %add3A_495 = arith.addi %add3A_200, %add3A_494 : i32
        %mul3A_496 = arith.constant 80 : i32
        %mul3A_497 = arith.muli %add3A_495, %mul3A_496 : i32
        %add3A_498 = arith.addi %mul3A_0, %mul3A_497 : i32
        %dma_wait3A_499 = arith.constant 0 : i32
        %dma_wait3A_500 = arith.constant 1 : i32
        %dma_wait3A_501 = arith.constant 1 : i32
        %dma_wait3A_502 = arith.constant 0 : i32
        %dma_wait3A_503 = tpu.memref_slice %arg8[%dma_wait3A_500, %dma_wait3A_502] : memref<2x80xi32, #tpu.memory_space<vmem>> -> memref<1x80xi32, #tpu.memory_space<vmem>>
        %dma_wait3A_504 = tpu.memref_squeeze %dma_wait3A_503 : memref<1x80xi32, #tpu.memory_space<vmem>> -> memref<80xi32, #tpu.memory_space<vmem>>
        %dma_wait3A_505 = tpu.memref_slice %arg3[%dma_wait3A_499, %add3A_498] : memref<2x320000xi32, #tpu.memory_space<hbm>> -> memref<1x80xi32, #tpu.memory_space<hbm>>
        %dma_wait3A_506 = tpu.memref_squeeze %dma_wait3A_505 : memref<1x80xi32, #tpu.memory_space<hbm>> -> memref<80xi32, #tpu.memory_space<hbm>>
        %dma_wait3A_507 = tpu.memref_slice %arg13[%dma_wait3A_501] : memref<2x!tpu.dma_semaphore, #tpu.memory_space<semaphore_mem>> -> memref<1x!tpu.dma_semaphore, #tpu.memory_space<semaphore_mem>>
        %dma_wait3A_508 = tpu.memref_squeeze %dma_wait3A_507 : memref<1x!tpu.dma_semaphore, #tpu.memory_space<semaphore_mem>> -> memref<!tpu.dma_semaphore, #tpu.memory_space<semaphore_mem>>
        %dma_wait3A_509 = arith.constant 0 : i32
        %dma_wait3A_510 = tpu.memref_slice %arg8[%dma_wait3A_500, %dma_wait3A_509] : memref<2x80xi32, #tpu.memory_space<vmem>> -> memref<1x80xi32, #tpu.memory_space<vmem>>
        %dma_wait3A_511 = tpu.memref_squeeze %dma_wait3A_510 : memref<1x80xi32, #tpu.memory_space<vmem>> -> memref<80xi32, #tpu.memory_space<vmem>>
        %dma_wait3A_512 = tpu.memref_slice %arg3[%dma_wait3A_499, %add3A_498] : memref<2x320000xi32, #tpu.memory_space<hbm>> -> memref<1x80xi32, #tpu.memory_space<hbm>>
        %dma_wait3A_513 = tpu.memref_squeeze %dma_wait3A_512 : memref<1x80xi32, #tpu.memory_space<hbm>> -> memref<80xi32, #tpu.memory_space<hbm>>
        tpu.wait_dma2 semaphore(%dma_wait3A_508 : memref<!tpu.dma_semaphore, #tpu.memory_space<semaphore_mem>>) src(%dma_wait3A_513 : memref<80xi32, #tpu.memory_space<hbm>>) dst(%dma_wait3A_511 : memref<80xi32, #tpu.memory_space<vmem>>)
        %dma_wait3A_514 = arith.constant 1 : i32
        %dma_wait3A_515 = arith.constant 1 : i32
        %dma_wait3A_516 = arith.constant 1 : i32
        %dma_wait3A_517 = arith.constant 0 : i32
        %dma_wait3A_518 = tpu.memref_slice %arg9[%dma_wait3A_515, %dma_wait3A_517] : memref<2x80xi32, #tpu.memory_space<vmem>> -> memref<1x80xi32, #tpu.memory_space<vmem>>
        %dma_wait3A_519 = tpu.memref_squeeze %dma_wait3A_518 : memref<1x80xi32, #tpu.memory_space<vmem>> -> memref<80xi32, #tpu.memory_space<vmem>>
        %dma_wait3A_520 = tpu.memref_slice %arg3[%dma_wait3A_514, %add3A_498] : memref<2x320000xi32, #tpu.memory_space<hbm>> -> memref<1x80xi32, #tpu.memory_space<hbm>>
        %dma_wait3A_521 = tpu.memref_squeeze %dma_wait3A_520 : memref<1x80xi32, #tpu.memory_space<hbm>> -> memref<80xi32, #tpu.memory_space<hbm>>
        %dma_wait3A_522 = tpu.memref_slice %arg13[%dma_wait3A_516] : memref<2x!tpu.dma_semaphore, #tpu.memory_space<semaphore_mem>> -> memref<1x!tpu.dma_semaphore, #tpu.memory_space<semaphore_mem>>
        %dma_wait3A_523 = tpu.memref_squeeze %dma_wait3A_522 : memref<1x!tpu.dma_semaphore, #tpu.memory_space<semaphore_mem>> -> memref<!tpu.dma_semaphore, #tpu.memory_space<semaphore_mem>>
        %dma_wait3A_524 = arith.constant 0 : i32
        %dma_wait3A_525 = tpu.memref_slice %arg9[%dma_wait3A_515, %dma_wait3A_524] : memref<2x80xi32, #tpu.memory_space<vmem>> -> memref<1x80xi32, #tpu.memory_space<vmem>>
        %dma_wait3A_526 = tpu.memref_squeeze %dma_wait3A_525 : memref<1x80xi32, #tpu.memory_space<vmem>> -> memref<80xi32, #tpu.memory_space<vmem>>
        %dma_wait3A_527 = tpu.memref_slice %arg3[%dma_wait3A_514, %add3A_498] : memref<2x320000xi32, #tpu.memory_space<hbm>> -> memref<1x80xi32, #tpu.memory_space<hbm>>
        %dma_wait3A_528 = tpu.memref_squeeze %dma_wait3A_527 : memref<1x80xi32, #tpu.memory_space<hbm>> -> memref<80xi32, #tpu.memory_space<hbm>>
        tpu.wait_dma2 semaphore(%dma_wait3A_523 : memref<!tpu.dma_semaphore, #tpu.memory_space<semaphore_mem>>) src(%dma_wait3A_528 : memref<80xi32, #tpu.memory_space<hbm>>) dst(%dma_wait3A_526 : memref<80xi32, #tpu.memory_space<vmem>>)
        %dma_wait3A_529 = arith.constant 1 : i32
        %dma_wait3A_530 = arith.constant 1 : i32
        %dma_wait3A_531 = arith.constant 0 : i32
        %dma_wait3A_532 = tpu.memref_slice %arg10[%dma_wait3A_529, %dma_wait3A_531] : memref<2x80xi32, #tpu.memory_space<vmem>> -> memref<1x80xi32, #tpu.memory_space<vmem>>
        %dma_wait3A_533 = tpu.memref_squeeze %dma_wait3A_532 : memref<1x80xi32, #tpu.memory_space<vmem>> -> memref<80xi32, #tpu.memory_space<vmem>>
        %dma_wait3A_534 = tpu.memref_slice %arg4[%add3A_498] : memref<320000xi32, #tpu.memory_space<hbm>> -> memref<80xi32, #tpu.memory_space<hbm>>
        %dma_wait3A_535 = tpu.memref_slice %arg13[%dma_wait3A_530] : memref<2x!tpu.dma_semaphore, #tpu.memory_space<semaphore_mem>> -> memref<1x!tpu.dma_semaphore, #tpu.memory_space<semaphore_mem>>
        %dma_wait3A_536 = tpu.memref_squeeze %dma_wait3A_535 : memref<1x!tpu.dma_semaphore, #tpu.memory_space<semaphore_mem>> -> memref<!tpu.dma_semaphore, #tpu.memory_space<semaphore_mem>>
        %dma_wait3A_537 = arith.constant 0 : i32
        %dma_wait3A_538 = tpu.memref_slice %arg10[%dma_wait3A_529, %dma_wait3A_537] : memref<2x80xi32, #tpu.memory_space<vmem>> -> memref<1x80xi32, #tpu.memory_space<vmem>>
        %dma_wait3A_539 = tpu.memref_squeeze %dma_wait3A_538 : memref<1x80xi32, #tpu.memory_space<vmem>> -> memref<80xi32, #tpu.memory_space<vmem>>
        %dma_wait3A_540 = tpu.memref_slice %arg4[%add3A_498] : memref<320000xi32, #tpu.memory_space<hbm>> -> memref<80xi32, #tpu.memory_space<hbm>>
        tpu.wait_dma2 semaphore(%dma_wait3A_536 : memref<!tpu.dma_semaphore, #tpu.memory_space<semaphore_mem>>) src(%dma_wait3A_540 : memref<80xi32, #tpu.memory_space<hbm>>) dst(%dma_wait3A_539 : memref<80xi32, #tpu.memory_space<vmem>>)
        %ge3A = arith.constant 1 : i32
        %ge3A_541 = arith.cmpi sge, %add3A_200, %ge3A : i32
        %convert_element_type3A_542 = arith.extui %ge3A_541 : i1 to i32
        %cond3A_543 = arith.constant 0 : i32
        %cond3A_544 = arith.cmpi ne, %convert_element_type3A_542, %cond3A_543 : i32
        scf.if %cond3A_544 {
          %dma_wait3A_564 = arith.constant 1 : i32
          %dma_wait3A_565 = arith.constant 1 : i32
          %dma_wait3A_566 = arith.constant 1 : i32
          %dma_wait3A_567 = arith.constant 0 : i32
          %dma_wait3A_568 = arith.constant 0 : i32
          %dma_wait3A_569 = tpu.memref_slice %arg12[%dma_wait3A_564, %dma_wait3A_567, %dma_wait3A_568] : memref<2x80x64xf32, #tpu.memory_space<vmem>> -> memref<1x80x64xf32, #tpu.memory_space<vmem>>
          %dma_wait3A_570 = tpu.memref_squeeze %dma_wait3A_569 : memref<1x80x64xf32, #tpu.memory_space<vmem>> -> memref<80x64xf32, #tpu.memory_space<vmem>>
          %dma_wait3A_571 = arith.constant 0 : i32
          %dma_wait3A_572 = tpu.memref_slice %arg11[%dma_wait3A_565, %dma_wait3A_571] : memref<2x80xi32, #tpu.memory_space<vmem>> -> memref<1x80xi32, #tpu.memory_space<vmem>>
          %dma_wait3A_573 = tpu.memref_squeeze %dma_wait3A_572 : memref<1x80xi32, #tpu.memory_space<vmem>> -> memref<80xi32, #tpu.memory_space<vmem>>
          %dma_wait3A_574 = arith.constant 0 : i32
          %dma_wait3A_575 = arith.constant 0 : i32
          %dma_wait3A_576 = tpu.memref_slice %arg7[%dma_wait3A_574, %dma_wait3A_575] : memref<30000x64xf32, #tpu.memory_space<vmem_shared>> -> memref<30000x64xf32, #tpu.memory_space<vmem_shared>>
          %dma_wait3A_577 = tpu.memref_slice %arg15[%dma_wait3A_566] : memref<2x!tpu.dma_semaphore, #tpu.memory_space<semaphore_mem>> -> memref<1x!tpu.dma_semaphore, #tpu.memory_space<semaphore_mem>>
          %dma_wait3A_578 = tpu.memref_squeeze %dma_wait3A_577 : memref<1x!tpu.dma_semaphore, #tpu.memory_space<semaphore_mem>> -> memref<!tpu.dma_semaphore, #tpu.memory_space<semaphore_mem>>
          tpu.wait_indirect_dma semaphore(%dma_wait3A_578 : memref<!tpu.dma_semaphore, #tpu.memory_space<semaphore_mem>>) src(%dma_wait3A_570 : memref<80x64xf32, #tpu.memory_space<vmem>>) dst(%dma_wait3A_576 : memref<30000x64xf32, #tpu.memory_space<vmem_shared>>)
        } else {
        }
        %dma_start3A_545 = arith.constant 1 : i32
        %dma_start3A_546 = arith.constant 1 : i32
        %dma_start3A_547 = arith.constant 1 : i32
        %dma_start3A_548 = arith.constant 0 : i32
        %dma_start3A_549 = arith.constant 0 : i32
        %dma_start3A_550 = tpu.memref_slice %arg12[%dma_start3A_546, %dma_start3A_548, %dma_start3A_549] : memref<2x80x64xf32, #tpu.memory_space<vmem>> -> memref<1x80x64xf32, #tpu.memory_space<vmem>>
        %dma_start3A_551 = tpu.memref_squeeze %dma_start3A_550 : memref<1x80x64xf32, #tpu.memory_space<vmem>> -> memref<80x64xf32, #tpu.memory_space<vmem>>
        %dma_start3A_552 = arith.constant 0 : i32
        %dma_start3A_553 = tpu.memref_slice %arg8[%dma_start3A_545, %dma_start3A_552] : memref<2x80xi32, #tpu.memory_space<vmem>> -> memref<1x80xi32, #tpu.memory_space<vmem>>
        %dma_start3A_554 = tpu.memref_squeeze %dma_start3A_553 : memref<1x80xi32, #tpu.memory_space<vmem>> -> memref<80xi32, #tpu.memory_space<vmem>>
        %dma_start3A_555 = arith.constant 0 : i32
        %dma_start3A_556 = arith.constant 0 : i32
        %dma_start3A_557 = tpu.memref_slice %arg2[%arg0, %dma_start3A_555, %dma_start3A_556] : memref<2x10000x64xf32, #tpu.memory_space<hbm>> -> memref<1x10000x64xf32, #tpu.memory_space<hbm>>
        %dma_start3A_558 = tpu.memref_squeeze %dma_start3A_557 : memref<1x10000x64xf32, #tpu.memory_space<hbm>> -> memref<10000x64xf32, #tpu.memory_space<hbm>>
        %dma_start3A_559 = arith.constant 0 : i32
        %dma_start3A_560 = arith.constant 0 : i32
        %dma_start3A_561 = tpu.memref_slice %dma_start3A_558[%dma_start3A_559, %dma_start3A_560] : memref<10000x64xf32, #tpu.memory_space<hbm>> -> memref<10000x64xf32, #tpu.memory_space<hbm>>
        %dma_start3A_562 = tpu.memref_slice %arg14[%dma_start3A_547] : memref<2x!tpu.dma_semaphore, #tpu.memory_space<semaphore_mem>> -> memref<1x!tpu.dma_semaphore, #tpu.memory_space<semaphore_mem>>
        %dma_start3A_563 = tpu.memref_squeeze %dma_start3A_562 : memref<1x!tpu.dma_semaphore, #tpu.memory_space<semaphore_mem>> -> memref<!tpu.dma_semaphore, #tpu.memory_space<semaphore_mem>>
        tpu.enqueue_indirect_dma source(%dma_start3A_561 : memref<10000x64xf32, #tpu.memory_space<hbm>>) target(%dma_start3A_551 : memref<80x64xf32, #tpu.memory_space<vmem>>) offsets(%dma_start3A_554 : memref<80xi32, #tpu.memory_space<vmem>>) semaphore(%dma_start3A_563 : memref<!tpu.dma_semaphore, #tpu.memory_space<semaphore_mem>>)
      } else {
      }
      %dma_wait3A_205 = arith.constant 0 : i32
      %dma_wait3A_206 = arith.constant 0 : i32
      %dma_wait3A_207 = arith.constant 0 : i32
      %dma_wait3A_208 = arith.constant 0 : i32
      %dma_wait3A_209 = arith.constant 0 : i32
      %dma_wait3A_210 = tpu.memref_slice %arg12[%dma_wait3A_206, %dma_wait3A_208, %dma_wait3A_209] : memref<2x80x64xf32, #tpu.memory_space<vmem>> -> memref<1x80x64xf32, #tpu.memory_space<vmem>>
      %dma_wait3A_211 = tpu.memref_squeeze %dma_wait3A_210 : memref<1x80x64xf32, #tpu.memory_space<vmem>> -> memref<80x64xf32, #tpu.memory_space<vmem>>
      %dma_wait3A_212 = arith.constant 0 : i32
      %dma_wait3A_213 = tpu.memref_slice %arg8[%dma_wait3A_205, %dma_wait3A_212] : memref<2x80xi32, #tpu.memory_space<vmem>> -> memref<1x80xi32, #tpu.memory_space<vmem>>
      %dma_wait3A_214 = tpu.memref_squeeze %dma_wait3A_213 : memref<1x80xi32, #tpu.memory_space<vmem>> -> memref<80xi32, #tpu.memory_space<vmem>>
      %dma_wait3A_215 = arith.constant 0 : i32
      %dma_wait3A_216 = arith.constant 0 : i32
      %dma_wait3A_217 = tpu.memref_slice %arg2[%arg0, %dma_wait3A_215, %dma_wait3A_216] : memref<2x10000x64xf32, #tpu.memory_space<hbm>> -> memref<1x10000x64xf32, #tpu.memory_space<hbm>>
      %dma_wait3A_218 = tpu.memref_squeeze %dma_wait3A_217 : memref<1x10000x64xf32, #tpu.memory_space<hbm>> -> memref<10000x64xf32, #tpu.memory_space<hbm>>
      %dma_wait3A_219 = arith.constant 0 : i32
      %dma_wait3A_220 = arith.constant 0 : i32
      %dma_wait3A_221 = tpu.memref_slice %dma_wait3A_218[%dma_wait3A_219, %dma_wait3A_220] : memref<10000x64xf32, #tpu.memory_space<hbm>> -> memref<10000x64xf32, #tpu.memory_space<hbm>>
      %dma_wait3A_222 = tpu.memref_slice %arg14[%dma_wait3A_207] : memref<2x!tpu.dma_semaphore, #tpu.memory_space<semaphore_mem>> -> memref<1x!tpu.dma_semaphore, #tpu.memory_space<semaphore_mem>>
      %dma_wait3A_223 = tpu.memref_squeeze %dma_wait3A_222 : memref<1x!tpu.dma_semaphore, #tpu.memory_space<semaphore_mem>> -> memref<!tpu.dma_semaphore, #tpu.memory_space<semaphore_mem>>
      tpu.wait_indirect_dma semaphore(%dma_wait3A_223 : memref<!tpu.dma_semaphore, #tpu.memory_space<semaphore_mem>>) src(%dma_wait3A_221 : memref<10000x64xf32, #tpu.memory_space<hbm>>) dst(%dma_wait3A_211 : memref<80x64xf32, #tpu.memory_space<vmem>>)
      %get3A = arith.constant 0 : i32
      %get3A_224 = arith.index_cast %get3A : i32 to index
      %get3A_225 = arith.constant 0 : index
      %get3A_226 = tpu.vector_load %arg9[%get3A_224, %get3A_225] {strides = array<i32>} : memref<2x80xi32, #tpu.memory_space<vmem>>, vector<1x16xi32>,
      %get3A_227 = vector.shape_cast %get3A_226 : vector<1x16xi32> to vector<16xi32>
      %get3A_228 = arith.constant 0 : i32
      %get3A_229 = arith.index_cast %get3A_228 : i32 to index
      %get3A_230 = arith.constant 0 : index
      %get3A_231 = tpu.vector_load %arg10[%get3A_229, %get3A_230] {strides = array<i32>} : memref<2x80xi32, #tpu.memory_space<vmem>>, vector<1x16xi32>,
      %get3A_232 = vector.shape_cast %get3A_231 : vector<1x16xi32> to vector<16xi32>
      %mul3A_233 = arith.constant 10000 : i32
      %mul3A_234 = vector.broadcast %mul3A_233 : i32 to vector<16xi32>
      %mul3A_235 = arith.muli %get3A_232, %mul3A_234 : vector<16xi32>
      %add3A_236 = arith.addi %mul3A_235, %get3A_227 : vector<16xi32>
      %swap3A = arith.constant 0 : i32
      %swap3A_237 = arith.index_cast %swap3A : i32 to index
      %swap3A_238 = arith.constant 0 : index
      %swap3A_239 = tpu.vector_load %arg11[%swap3A_237, %swap3A_238] {strides = array<i32>} : memref<2x80xi32, #tpu.memory_space<vmem>>, vector<1x16xi32>,
      %swap3A_240 = vector.shape_cast %swap3A_239 : vector<1x16xi32> to vector<16xi32>
      %swap3A_241 = vector.shape_cast %add3A_236 : vector<16xi32> to vector<1x16xi32>
      tpu.vector_store %arg11[%swap3A_237, %swap3A_238], %swap3A_241 {strides = array<i32>} : memref<2x80xi32, #tpu.memory_space<vmem>>, vector<1x16xi32>,
      %get3A_242 = arith.constant 0 : i32
      %get3A_243 = arith.index_cast %get3A_242 : i32 to index
      %get3A_244 = arith.constant 16 : index
      %get3A_245 = tpu.vector_load %arg9[%get3A_243, %get3A_244] {strides = array<i32>} : memref<2x80xi32, #tpu.memory_space<vmem>>, vector<1x16xi32>,
      %get3A_246 = vector.shape_cast %get3A_245 : vector<1x16xi32> to vector<16xi32>
      %get3A_247 = arith.constant 0 : i32
      %get3A_248 = arith.index_cast %get3A_247 : i32 to index
      %get3A_249 = arith.constant 16 : index
      %get3A_250 = tpu.vector_load %arg10[%get3A_248, %get3A_249] {strides = array<i32>} : memref<2x80xi32, #tpu.memory_space<vmem>>, vector<1x16xi32>,
      %get3A_251 = vector.shape_cast %get3A_250 : vector<1x16xi32> to vector<16xi32>
      %mul3A_252 = arith.constant 10000 : i32
      %mul3A_253 = vector.broadcast %mul3A_252 : i32 to vector<16xi32>
      %mul3A_254 = arith.muli %get3A_251, %mul3A_253 : vector<16xi32>
      %add3A_255 = arith.addi %mul3A_254, %get3A_246 : vector<16xi32>
      %swap3A_256 = arith.constant 0 : i32
      %swap3A_257 = arith.index_cast %swap3A_256 : i32 to index
      %swap3A_258 = arith.constant 16 : index
      %swap3A_259 = tpu.vector_load %arg11[%swap3A_257, %swap3A_258] {strides = array<i32>} : memref<2x80xi32, #tpu.memory_space<vmem>>, vector<1x16xi32>,
      %swap3A_260 = vector.shape_cast %swap3A_259 : vector<1x16xi32> to vector<16xi32>
      %swap3A_261 = vector.shape_cast %add3A_255 : vector<16xi32> to vector<1x16xi32>
      tpu.vector_store %arg11[%swap3A_257, %swap3A_258], %swap3A_261 {strides = array<i32>} : memref<2x80xi32, #tpu.memory_space<vmem>>, vector<1x16xi32>,
      %get3A_262 = arith.constant 0 : i32
      %get3A_263 = arith.index_cast %get3A_262 : i32 to index
      %get3A_264 = arith.constant 32 : index
      %get3A_265 = tpu.vector_load %arg9[%get3A_263, %get3A_264] {strides = array<i32>} : memref<2x80xi32, #tpu.memory_space<vmem>>, vector<1x16xi32>,
      %get3A_266 = vector.shape_cast %get3A_265 : vector<1x16xi32> to vector<16xi32>
      %get3A_267 = arith.constant 0 : i32
      %get3A_268 = arith.index_cast %get3A_267 : i32 to index
      %get3A_269 = arith.constant 32 : index
      %get3A_270 = tpu.vector_load %arg10[%get3A_268, %get3A_269] {strides = array<i32>} : memref<2x80xi32, #tpu.memory_space<vmem>>, vector<1x16xi32>,
      %get3A_271 = vector.shape_cast %get3A_270 : vector<1x16xi32> to vector<16xi32>
      %mul3A_272 = arith.constant 10000 : i32
      %mul3A_273 = vector.broadcast %mul3A_272 : i32 to vector<16xi32>
      %mul3A_274 = arith.muli %get3A_271, %mul3A_273 : vector<16xi32>
      %add3A_275 = arith.addi %mul3A_274, %get3A_266 : vector<16xi32>
      %swap3A_276 = arith.constant 0 : i32
      %swap3A_277 = arith.index_cast %swap3A_276 : i32 to index
      %swap3A_278 = arith.constant 32 : index
      %swap3A_279 = tpu.vector_load %arg11[%swap3A_277, %swap3A_278] {strides = array<i32>} : memref<2x80xi32, #tpu.memory_space<vmem>>, vector<1x16xi32>,
      %swap3A_280 = vector.shape_cast %swap3A_279 : vector<1x16xi32> to vector<16xi32>
      %swap3A_281 = vector.shape_cast %add3A_275 : vector<16xi32> to vector<1x16xi32>
      tpu.vector_store %arg11[%swap3A_277, %swap3A_278], %swap3A_281 {strides = array<i32>} : memref<2x80xi32, #tpu.memory_space<vmem>>, vector<1x16xi32>,
      %get3A_282 = arith.constant 0 : i32
      %get3A_283 = arith.index_cast %get3A_282 : i32 to index
      %get3A_284 = arith.constant 48 : index
      %get3A_285 = tpu.vector_load %arg9[%get3A_283, %get3A_284] {strides = array<i32>} : memref<2x80xi32, #tpu.memory_space<vmem>>, vector<1x16xi32>,
      %get3A_286 = vector.shape_cast %get3A_285 : vector<1x16xi32> to vector<16xi32>
      %get3A_287 = arith.constant 0 : i32
      %get3A_288 = arith.index_cast %get3A_287 : i32 to index
      %get3A_289 = arith.constant 48 : index
      %get3A_290 = tpu.vector_load %arg10[%get3A_288, %get3A_289] {strides = array<i32>} : memref<2x80xi32, #tpu.memory_space<vmem>>, vector<1x16xi32>,
      %get3A_291 = vector.shape_cast %get3A_290 : vector<1x16xi32> to vector<16xi32>
      %mul3A_292 = arith.constant 10000 : i32
      %mul3A_293 = vector.broadcast %mul3A_292 : i32 to vector<16xi32>
      %mul3A_294 = arith.muli %get3A_291, %mul3A_293 : vector<16xi32>
      %add3A_295 = arith.addi %mul3A_294, %get3A_286 : vector<16xi32>
      %swap3A_296 = arith.constant 0 : i32
      %swap3A_297 = arith.index_cast %swap3A_296 : i32 to index
      %swap3A_298 = arith.constant 48 : index
      %swap3A_299 = tpu.vector_load %arg11[%swap3A_297, %swap3A_298] {strides = array<i32>} : memref<2x80xi32, #tpu.memory_space<vmem>>, vector<1x16xi32>,
      %swap3A_300 = vector.shape_cast %swap3A_299 : vector<1x16xi32> to vector<16xi32>
      %swap3A_301 = vector.shape_cast %add3A_295 : vector<16xi32> to vector<1x16xi32>
      tpu.vector_store %arg11[%swap3A_297, %swap3A_298], %swap3A_301 {strides = array<i32>} : memref<2x80xi32, #tpu.memory_space<vmem>>, vector<1x16xi32>,
      %get3A_302 = arith.constant 0 : i32
      %get3A_303 = arith.index_cast %get3A_302 : i32 to index
      %get3A_304 = arith.constant 64 : index
      %get3A_305 = tpu.vector_load %arg9[%get3A_303, %get3A_304] {strides = array<i32>} : memref<2x80xi32, #tpu.memory_space<vmem>>, vector<1x16xi32>,
      %get3A_306 = vector.shape_cast %get3A_305 : vector<1x16xi32> to vector<16xi32>
      %get3A_307 = arith.constant 0 : i32
      %get3A_308 = arith.index_cast %get3A_307 : i32 to index
      %get3A_309 = arith.constant 64 : index
      %get3A_310 = tpu.vector_load %arg10[%get3A_308, %get3A_309] {strides = array<i32>} : memref<2x80xi32, #tpu.memory_space<vmem>>, vector<1x16xi32>,
      %get3A_311 = vector.shape_cast %get3A_310 : vector<1x16xi32> to vector<16xi32>
      %mul3A_312 = arith.constant 10000 : i32
      %mul3A_313 = vector.broadcast %mul3A_312 : i32 to vector<16xi32>
      %mul3A_314 = arith.muli %get3A_311, %mul3A_313 : vector<16xi32>
      %add3A_315 = arith.addi %mul3A_314, %get3A_306 : vector<16xi32>
      %swap3A_316 = arith.constant 0 : i32
      %swap3A_317 = arith.index_cast %swap3A_316 : i32 to index
      %swap3A_318 = arith.constant 64 : index
      %swap3A_319 = tpu.vector_load %arg11[%swap3A_317, %swap3A_318] {strides = array<i32>} : memref<2x80xi32, #tpu.memory_space<vmem>>, vector<1x16xi32>,
      %swap3A_320 = vector.shape_cast %swap3A_319 : vector<1x16xi32> to vector<16xi32>
      %swap3A_321 = vector.shape_cast %add3A_315 : vector<16xi32> to vector<1x16xi32>
      tpu.vector_store %arg11[%swap3A_317, %swap3A_318], %swap3A_321 {strides = array<i32>} : memref<2x80xi32, #tpu.memory_space<vmem>>, vector<1x16xi32>,
      %dma_start3A_322 = arith.constant 0 : i32
      %dma_start3A_323 = arith.constant 0 : i32
      %dma_start3A_324 = arith.constant 0 : i32
      %dma_start3A_325 = arith.constant 0 : i32
      %dma_start3A_326 = arith.constant 0 : i32
      %dma_start3A_327 = tpu.memref_slice %arg12[%dma_start3A_322, %dma_start3A_325, %dma_start3A_326] : memref<2x80x64xf32, #tpu.memory_space<vmem>> -> memref<1x80x64xf32, #tpu.memory_space<vmem>>
      %dma_start3A_328 = tpu.memref_squeeze %dma_start3A_327 : memref<1x80x64xf32, #tpu.memory_space<vmem>> -> memref<80x64xf32, #tpu.memory_space<vmem>>
      %dma_start3A_329 = arith.constant 0 : i32
      %dma_start3A_330 = tpu.memref_slice %arg11[%dma_start3A_323, %dma_start3A_329] : memref<2x80xi32, #tpu.memory_space<vmem>> -> memref<1x80xi32, #tpu.memory_space<vmem>>
      %dma_start3A_331 = tpu.memref_squeeze %dma_start3A_330 : memref<1x80xi32, #tpu.memory_space<vmem>> -> memref<80xi32, #tpu.memory_space<vmem>>
      %dma_start3A_332 = arith.constant 0 : i32
      %dma_start3A_333 = arith.constant 0 : i32
      %dma_start3A_334 = tpu.memref_slice %arg7[%dma_start3A_332, %dma_start3A_333] : memref<30000x64xf32, #tpu.memory_space<vmem_shared>> -> memref<30000x64xf32, #tpu.memory_space<vmem_shared>>
      %dma_start3A_335 = tpu.memref_slice %arg15[%dma_start3A_324] : memref<2x!tpu.dma_semaphore, #tpu.memory_space<semaphore_mem>> -> memref<1x!tpu.dma_semaphore, #tpu.memory_space<semaphore_mem>>
      %dma_start3A_336 = tpu.memref_squeeze %dma_start3A_335 : memref<1x!tpu.dma_semaphore, #tpu.memory_space<semaphore_mem>> -> memref<!tpu.dma_semaphore, #tpu.memory_space<semaphore_mem>>
      tpu.enqueue_indirect_dma source(%dma_start3A_328 : memref<80x64xf32, #tpu.memory_space<vmem>>) target(%dma_start3A_334 : memref<30000x64xf32, #tpu.memory_space<vmem_shared>>) offsets(%dma_start3A_331 : memref<80xi32, #tpu.memory_space<vmem>>) semaphore(%dma_start3A_336 : memref<!tpu.dma_semaphore, #tpu.memory_space<semaphore_mem>>) {add = true}
      %add3A_337 = arith.constant 2 : i32
      %add3A_338 = arith.addi %add3A_200, %add3A_337 : i32
      %lt3A_339 = arith.constant 250 : i32
      %lt3A_340 = arith.cmpi slt, %add3A_338, %lt3A_339 : i32
      %convert_element_type3A_341 = arith.extui %lt3A_340 : i1 to i32
      %cond3A_342 = arith.constant 0 : i32
      %cond3A_343 = arith.cmpi ne, %convert_element_type3A_341, %cond3A_342 : i32
      scf.if %cond3A_343 {
        %add3A_494 = arith.constant 2 : i32
        %add3A_495 = arith.addi %add3A_200, %add3A_494 : i32
        %mul3A_496 = arith.constant 80 : i32
        %mul3A_497 = arith.muli %add3A_495, %mul3A_496 : i32
        %add3A_498 = arith.addi %mul3A_0, %mul3A_497 : i32
        %dma_start3A_499 = arith.constant 0 : i32
        %dma_start3A_500 = arith.constant 0 : i32
        %dma_start3A_501 = arith.constant 0 : i32
        %dma_start3A_502 = arith.constant 0 : i32
        %dma_start3A_503 = tpu.memref_slice %arg8[%dma_start3A_500, %dma_start3A_502] : memref<2x80xi32, #tpu.memory_space<vmem>> -> memref<1x80xi32, #tpu.memory_space<vmem>>
        %dma_start3A_504 = tpu.memref_squeeze %dma_start3A_503 : memref<1x80xi32, #tpu.memory_space<vmem>> -> memref<80xi32, #tpu.memory_space<vmem>>
        %dma_start3A_505 = tpu.memref_slice %arg3[%dma_start3A_499, %add3A_498] : memref<2x320000xi32, #tpu.memory_space<hbm>> -> memref<1x80xi32, #tpu.memory_space<hbm>>
        %dma_start3A_506 = tpu.memref_squeeze %dma_start3A_505 : memref<1x80xi32, #tpu.memory_space<hbm>> -> memref<80xi32, #tpu.memory_space<hbm>>
        %dma_start3A_507 = tpu.memref_slice %arg13[%dma_start3A_501] : memref<2x!tpu.dma_semaphore, #tpu.memory_space<semaphore_mem>> -> memref<1x!tpu.dma_semaphore, #tpu.memory_space<semaphore_mem>>
        %dma_start3A_508 = tpu.memref_squeeze %dma_start3A_507 : memref<1x!tpu.dma_semaphore, #tpu.memory_space<semaphore_mem>> -> memref<!tpu.dma_semaphore, #tpu.memory_space<semaphore_mem>>
        %dma_start3A_509 = arith.constant 0 : i32
        %dma_start3A_510 = tpu.memref_slice %arg8[%dma_start3A_500, %dma_start3A_509] : memref<2x80xi32, #tpu.memory_space<vmem>> -> memref<1x80xi32, #tpu.memory_space<vmem>>
        %dma_start3A_511 = tpu.memref_squeeze %dma_start3A_510 : memref<1x80xi32, #tpu.memory_space<vmem>> -> memref<80xi32, #tpu.memory_space<vmem>>
        %dma_start3A_512 = tpu.memref_slice %arg3[%dma_start3A_499, %add3A_498] : memref<2x320000xi32, #tpu.memory_space<hbm>> -> memref<1x80xi32, #tpu.memory_space<hbm>>
        %dma_start3A_513 = tpu.memref_squeeze %dma_start3A_512 : memref<1x80xi32, #tpu.memory_space<hbm>> -> memref<80xi32, #tpu.memory_space<hbm>>
        tpu.enqueue_dma source(%dma_start3A_513 : memref<80xi32, #tpu.memory_space<hbm>>) target(%dma_start3A_511 : memref<80xi32, #tpu.memory_space<vmem>>) target_semaphore(%dma_start3A_508 : memref<!tpu.dma_semaphore, #tpu.memory_space<semaphore_mem>>)
        %dma_start3A_514 = arith.constant 1 : i32
        %dma_start3A_515 = arith.constant 0 : i32
        %dma_start3A_516 = arith.constant 0 : i32
        %dma_start3A_517 = arith.constant 0 : i32
        %dma_start3A_518 = tpu.memref_slice %arg9[%dma_start3A_515, %dma_start3A_517] : memref<2x80xi32, #tpu.memory_space<vmem>> -> memref<1x80xi32, #tpu.memory_space<vmem>>
        %dma_start3A_519 = tpu.memref_squeeze %dma_start3A_518 : memref<1x80xi32, #tpu.memory_space<vmem>> -> memref<80xi32, #tpu.memory_space<vmem>>
        %dma_start3A_520 = tpu.memref_slice %arg3[%dma_start3A_514, %add3A_498] : memref<2x320000xi32, #tpu.memory_space<hbm>> -> memref<1x80xi32, #tpu.memory_space<hbm>>
        %dma_start3A_521 = tpu.memref_squeeze %dma_start3A_520 : memref<1x80xi32, #tpu.memory_space<hbm>> -> memref<80xi32, #tpu.memory_space<hbm>>
        %dma_start3A_522 = tpu.memref_slice %arg13[%dma_start3A_516] : memref<2x!tpu.dma_semaphore, #tpu.memory_space<semaphore_mem>> -> memref<1x!tpu.dma_semaphore, #tpu.memory_space<semaphore_mem>>
        %dma_start3A_523 = tpu.memref_squeeze %dma_start3A_522 : memref<1x!tpu.dma_semaphore, #tpu.memory_space<semaphore_mem>> -> memref<!tpu.dma_semaphore, #tpu.memory_space<semaphore_mem>>
        %dma_start3A_524 = arith.constant 0 : i32
        %dma_start3A_525 = tpu.memref_slice %arg9[%dma_start3A_515, %dma_start3A_524] : memref<2x80xi32, #tpu.memory_space<vmem>> -> memref<1x80xi32, #tpu.memory_space<vmem>>
        %dma_start3A_526 = tpu.memref_squeeze %dma_start3A_525 : memref<1x80xi32, #tpu.memory_space<vmem>> -> memref<80xi32, #tpu.memory_space<vmem>>
        %dma_start3A_527 = tpu.memref_slice %arg3[%dma_start3A_514, %add3A_498] : memref<2x320000xi32, #tpu.memory_space<hbm>> -> memref<1x80xi32, #tpu.memory_space<hbm>>
        %dma_start3A_528 = tpu.memref_squeeze %dma_start3A_527 : memref<1x80xi32, #tpu.memory_space<hbm>> -> memref<80xi32, #tpu.memory_space<hbm>>
        tpu.enqueue_dma source(%dma_start3A_528 : memref<80xi32, #tpu.memory_space<hbm>>) target(%dma_start3A_526 : memref<80xi32, #tpu.memory_space<vmem>>) target_semaphore(%dma_start3A_523 : memref<!tpu.dma_semaphore, #tpu.memory_space<semaphore_mem>>)
        %dma_start3A_529 = arith.constant 0 : i32
        %dma_start3A_530 = arith.constant 0 : i32
        %dma_start3A_531 = arith.constant 0 : i32
        %dma_start3A_532 = tpu.memref_slice %arg10[%dma_start3A_529, %dma_start3A_531] : memref<2x80xi32, #tpu.memory_space<vmem>> -> memref<1x80xi32, #tpu.memory_space<vmem>>
        %dma_start3A_533 = tpu.memref_squeeze %dma_start3A_532 : memref<1x80xi32, #tpu.memory_space<vmem>> -> memref<80xi32, #tpu.memory_space<vmem>>
        %dma_start3A_534 = tpu.memref_slice %arg4[%add3A_498] : memref<320000xi32, #tpu.memory_space<hbm>> -> memref<80xi32, #tpu.memory_space<hbm>>
        %dma_start3A_535 = tpu.memref_slice %arg13[%dma_start3A_530] : memref<2x!tpu.dma_semaphore, #tpu.memory_space<semaphore_mem>> -> memref<1x!tpu.dma_semaphore, #tpu.memory_space<semaphore_mem>>
        %dma_start3A_536 = tpu.memref_squeeze %dma_start3A_535 : memref<1x!tpu.dma_semaphore, #tpu.memory_space<semaphore_mem>> -> memref<!tpu.dma_semaphore, #tpu.memory_space<semaphore_mem>>
        %dma_start3A_537 = arith.constant 0 : i32
        %dma_start3A_538 = tpu.memref_slice %arg10[%dma_start3A_529, %dma_start3A_537] : memref<2x80xi32, #tpu.memory_space<vmem>> -> memref<1x80xi32, #tpu.memory_space<vmem>>
        %dma_start3A_539 = tpu.memref_squeeze %dma_start3A_538 : memref<1x80xi32, #tpu.memory_space<vmem>> -> memref<80xi32, #tpu.memory_space<vmem>>
        %dma_start3A_540 = tpu.memref_slice %arg4[%add3A_498] : memref<320000xi32, #tpu.memory_space<hbm>> -> memref<80xi32, #tpu.memory_space<hbm>>
        tpu.enqueue_dma source(%dma_start3A_540 : memref<80xi32, #tpu.memory_space<hbm>>) target(%dma_start3A_539 : memref<80xi32, #tpu.memory_space<vmem>>) target_semaphore(%dma_start3A_536 : memref<!tpu.dma_semaphore, #tpu.memory_space<semaphore_mem>>)
      } else {
      }
      %add3A_344 = arith.constant 1 : i32
      %add3A_345 = arith.addi %add3A_198, %add3A_344 : i32
      %add3A_346 = arith.constant 1 : i32
      %add3A_347 = arith.addi %add3A_345, %add3A_346 : i32
      %lt3A_348 = arith.constant 250 : i32
      %lt3A_349 = arith.cmpi slt, %add3A_347, %lt3A_348 : i32
      %convert_element_type3A_350 = arith.extui %lt3A_349 : i1 to i32
      %cond3A_351 = arith.constant 0 : i32
      %cond3A_352 = arith.cmpi ne, %convert_element_type3A_350, %cond3A_351 : i32
      scf.if %cond3A_352 {
        %add3A_494 = arith.constant 1 : i32
        %add3A_495 = arith.addi %add3A_345, %add3A_494 : i32
        %mul3A_496 = arith.constant 80 : i32
        %mul3A_497 = arith.muli %add3A_495, %mul3A_496 : i32
        %add3A_498 = arith.addi %mul3A_0, %mul3A_497 : i32
        %dma_wait3A_499 = arith.constant 0 : i32
        %dma_wait3A_500 = arith.constant 0 : i32
        %dma_wait3A_501 = arith.constant 0 : i32
        %dma_wait3A_502 = arith.constant 0 : i32
        %dma_wait3A_503 = tpu.memref_slice %arg8[%dma_wait3A_500, %dma_wait3A_502] : memref<2x80xi32, #tpu.memory_space<vmem>> -> memref<1x80xi32, #tpu.memory_space<vmem>>
        %dma_wait3A_504 = tpu.memref_squeeze %dma_wait3A_503 : memref<1x80xi32, #tpu.memory_space<vmem>> -> memref<80xi32, #tpu.memory_space<vmem>>
        %dma_wait3A_505 = tpu.memref_slice %arg3[%dma_wait3A_499, %add3A_498] : memref<2x320000xi32, #tpu.memory_space<hbm>> -> memref<1x80xi32, #tpu.memory_space<hbm>>
        %dma_wait3A_506 = tpu.memref_squeeze %dma_wait3A_505 : memref<1x80xi32, #tpu.memory_space<hbm>> -> memref<80xi32, #tpu.memory_space<hbm>>
        %dma_wait3A_507 = tpu.memref_slice %arg13[%dma_wait3A_501] : memref<2x!tpu.dma_semaphore, #tpu.memory_space<semaphore_mem>> -> memref<1x!tpu.dma_semaphore, #tpu.memory_space<semaphore_mem>>
        %dma_wait3A_508 = tpu.memref_squeeze %dma_wait3A_507 : memref<1x!tpu.dma_semaphore, #tpu.memory_space<semaphore_mem>> -> memref<!tpu.dma_semaphore, #tpu.memory_space<semaphore_mem>>
        %dma_wait3A_509 = arith.constant 0 : i32
        %dma_wait3A_510 = tpu.memref_slice %arg8[%dma_wait3A_500, %dma_wait3A_509] : memref<2x80xi32, #tpu.memory_space<vmem>> -> memref<1x80xi32, #tpu.memory_space<vmem>>
        %dma_wait3A_511 = tpu.memref_squeeze %dma_wait3A_510 : memref<1x80xi32, #tpu.memory_space<vmem>> -> memref<80xi32, #tpu.memory_space<vmem>>
        %dma_wait3A_512 = tpu.memref_slice %arg3[%dma_wait3A_499, %add3A_498] : memref<2x320000xi32, #tpu.memory_space<hbm>> -> memref<1x80xi32, #tpu.memory_space<hbm>>
        %dma_wait3A_513 = tpu.memref_squeeze %dma_wait3A_512 : memref<1x80xi32, #tpu.memory_space<hbm>> -> memref<80xi32, #tpu.memory_space<hbm>>
        tpu.wait_dma2 semaphore(%dma_wait3A_508 : memref<!tpu.dma_semaphore, #tpu.memory_space<semaphore_mem>>) src(%dma_wait3A_513 : memref<80xi32, #tpu.memory_space<hbm>>) dst(%dma_wait3A_511 : memref<80xi32, #tpu.memory_space<vmem>>)
        %dma_wait3A_514 = arith.constant 1 : i32
        %dma_wait3A_515 = arith.constant 0 : i32
        %dma_wait3A_516 = arith.constant 0 : i32
        %dma_wait3A_517 = arith.constant 0 : i32
        %dma_wait3A_518 = tpu.memref_slice %arg9[%dma_wait3A_515, %dma_wait3A_517] : memref<2x80xi32, #tpu.memory_space<vmem>> -> memref<1x80xi32, #tpu.memory_space<vmem>>
        %dma_wait3A_519 = tpu.memref_squeeze %dma_wait3A_518 : memref<1x80xi32, #tpu.memory_space<vmem>> -> memref<80xi32, #tpu.memory_space<vmem>>
        %dma_wait3A_520 = tpu.memref_slice %arg3[%dma_wait3A_514, %add3A_498] : memref<2x320000xi32, #tpu.memory_space<hbm>> -> memref<1x80xi32, #tpu.memory_space<hbm>>
        %dma_wait3A_521 = tpu.memref_squeeze %dma_wait3A_520 : memref<1x80xi32, #tpu.memory_space<hbm>> -> memref<80xi32, #tpu.memory_space<hbm>>
        %dma_wait3A_522 = tpu.memref_slice %arg13[%dma_wait3A_516] : memref<2x!tpu.dma_semaphore, #tpu.memory_space<semaphore_mem>> -> memref<1x!tpu.dma_semaphore, #tpu.memory_space<semaphore_mem>>
        %dma_wait3A_523 = tpu.memref_squeeze %dma_wait3A_522 : memref<1x!tpu.dma_semaphore, #tpu.memory_space<semaphore_mem>> -> memref<!tpu.dma_semaphore, #tpu.memory_space<semaphore_mem>>
        %dma_wait3A_524 = arith.constant 0 : i32
        %dma_wait3A_525 = tpu.memref_slice %arg9[%dma_wait3A_515, %dma_wait3A_524] : memref<2x80xi32, #tpu.memory_space<vmem>> -> memref<1x80xi32, #tpu.memory_space<vmem>>
        %dma_wait3A_526 = tpu.memref_squeeze %dma_wait3A_525 : memref<1x80xi32, #tpu.memory_space<vmem>> -> memref<80xi32, #tpu.memory_space<vmem>>
        %dma_wait3A_527 = tpu.memref_slice %arg3[%dma_wait3A_514, %add3A_498] : memref<2x320000xi32, #tpu.memory_space<hbm>> -> memref<1x80xi32, #tpu.memory_space<hbm>>
        %dma_wait3A_528 = tpu.memref_squeeze %dma_wait3A_527 : memref<1x80xi32, #tpu.memory_space<hbm>> -> memref<80xi32, #tpu.memory_space<hbm>>
        tpu.wait_dma2 semaphore(%dma_wait3A_523 : memref<!tpu.dma_semaphore, #tpu.memory_space<semaphore_mem>>) src(%dma_wait3A_528 : memref<80xi32, #tpu.memory_space<hbm>>) dst(%dma_wait3A_526 : memref<80xi32, #tpu.memory_space<vmem>>)
        %dma_wait3A_529 = arith.constant 0 : i32
        %dma_wait3A_530 = arith.constant 0 : i32
        %dma_wait3A_531 = arith.constant 0 : i32
        %dma_wait3A_532 = tpu.memref_slice %arg10[%dma_wait3A_529, %dma_wait3A_531] : memref<2x80xi32, #tpu.memory_space<vmem>> -> memref<1x80xi32, #tpu.memory_space<vmem>>
        %dma_wait3A_533 = tpu.memref_squeeze %dma_wait3A_532 : memref<1x80xi32, #tpu.memory_space<vmem>> -> memref<80xi32, #tpu.memory_space<vmem>>
        %dma_wait3A_534 = tpu.memref_slice %arg4[%add3A_498] : memref<320000xi32, #tpu.memory_space<hbm>> -> memref<80xi32, #tpu.memory_space<hbm>>
        %dma_wait3A_535 = tpu.memref_slice %arg13[%dma_wait3A_530] : memref<2x!tpu.dma_semaphore, #tpu.memory_space<semaphore_mem>> -> memref<1x!tpu.dma_semaphore, #tpu.memory_space<semaphore_mem>>
        %dma_wait3A_536 = tpu.memref_squeeze %dma_wait3A_535 : memref<1x!tpu.dma_semaphore, #tpu.memory_space<semaphore_mem>> -> memref<!tpu.dma_semaphore, #tpu.memory_space<semaphore_mem>>
        %dma_wait3A_537 = arith.constant 0 : i32
        %dma_wait3A_538 = tpu.memref_slice %arg10[%dma_wait3A_529, %dma_wait3A_537] : memref<2x80xi32, #tpu.memory_space<vmem>> -> memref<1x80xi32, #tpu.memory_space<vmem>>
        %dma_wait3A_539 = tpu.memref_squeeze %dma_wait3A_538 : memref<1x80xi32, #tpu.memory_space<vmem>> -> memref<80xi32, #tpu.memory_space<vmem>>
        %dma_wait3A_540 = tpu.memref_slice %arg4[%add3A_498] : memref<320000xi32, #tpu.memory_space<hbm>> -> memref<80xi32, #tpu.memory_space<hbm>>
        tpu.wait_dma2 semaphore(%dma_wait3A_536 : memref<!tpu.dma_semaphore, #tpu.memory_space<semaphore_mem>>) src(%dma_wait3A_540 : memref<80xi32, #tpu.memory_space<hbm>>) dst(%dma_wait3A_539 : memref<80xi32, #tpu.memory_space<vmem>>)
        %ge3A = arith.constant 1 : i32
        %ge3A_541 = arith.cmpi sge, %add3A_345, %ge3A : i32
        %convert_element_type3A_542 = arith.extui %ge3A_541 : i1 to i32
        %cond3A_543 = arith.constant 0 : i32
        %cond3A_544 = arith.cmpi ne, %convert_element_type3A_542, %cond3A_543 : i32
        scf.if %cond3A_544 {
          %dma_wait3A_564 = arith.constant 0 : i32
          %dma_wait3A_565 = arith.constant 0 : i32
          %dma_wait3A_566 = arith.constant 0 : i32
          %dma_wait3A_567 = arith.constant 0 : i32
          %dma_wait3A_568 = arith.constant 0 : i32
          %dma_wait3A_569 = tpu.memref_slice %arg12[%dma_wait3A_564, %dma_wait3A_567, %dma_wait3A_568] : memref<2x80x64xf32, #tpu.memory_space<vmem>> -> memref<1x80x64xf32, #tpu.memory_space<vmem>>
          %dma_wait3A_570 = tpu.memref_squeeze %dma_wait3A_569 : memref<1x80x64xf32, #tpu.memory_space<vmem>> -> memref<80x64xf32, #tpu.memory_space<vmem>>
          %dma_wait3A_571 = arith.constant 0 : i32
          %dma_wait3A_572 = tpu.memref_slice %arg11[%dma_wait3A_565, %dma_wait3A_571] : memref<2x80xi32, #tpu.memory_space<vmem>> -> memref<1x80xi32, #tpu.memory_space<vmem>>
          %dma_wait3A_573 = tpu.memref_squeeze %dma_wait3A_572 : memref<1x80xi32, #tpu.memory_space<vmem>> -> memref<80xi32, #tpu.memory_space<vmem>>
          %dma_wait3A_574 = arith.constant 0 : i32
          %dma_wait3A_575 = arith.constant 0 : i32
          %dma_wait3A_576 = tpu.memref_slice %arg7[%dma_wait3A_574, %dma_wait3A_575] : memref<30000x64xf32, #tpu.memory_space<vmem_shared>> -> memref<30000x64xf32, #tpu.memory_space<vmem_shared>>
          %dma_wait3A_577 = tpu.memref_slice %arg15[%dma_wait3A_566] : memref<2x!tpu.dma_semaphore, #tpu.memory_space<semaphore_mem>> -> memref<1x!tpu.dma_semaphore, #tpu.memory_space<semaphore_mem>>
          %dma_wait3A_578 = tpu.memref_squeeze %dma_wait3A_577 : memref<1x!tpu.dma_semaphore, #tpu.memory_space<semaphore_mem>> -> memref<!tpu.dma_semaphore, #tpu.memory_space<semaphore_mem>>
          tpu.wait_indirect_dma semaphore(%dma_wait3A_578 : memref<!tpu.dma_semaphore, #tpu.memory_space<semaphore_mem>>) src(%dma_wait3A_570 : memref<80x64xf32, #tpu.memory_space<vmem>>) dst(%dma_wait3A_576 : memref<30000x64xf32, #tpu.memory_space<vmem_shared>>)
        } else {
        }
        %dma_start3A_545 = arith.constant 0 : i32
        %dma_start3A_546 = arith.constant 0 : i32
        %dma_start3A_547 = arith.constant 0 : i32
        %dma_start3A_548 = arith.constant 0 : i32
        %dma_start3A_549 = arith.constant 0 : i32
        %dma_start3A_550 = tpu.memref_slice %arg12[%dma_start3A_546, %dma_start3A_548, %dma_start3A_549] : memref<2x80x64xf32, #tpu.memory_space<vmem>> -> memref<1x80x64xf32, #tpu.memory_space<vmem>>
        %dma_start3A_551 = tpu.memref_squeeze %dma_start3A_550 : memref<1x80x64xf32, #tpu.memory_space<vmem>> -> memref<80x64xf32, #tpu.memory_space<vmem>>
        %dma_start3A_552 = arith.constant 0 : i32
        %dma_start3A_553 = tpu.memref_slice %arg8[%dma_start3A_545, %dma_start3A_552] : memref<2x80xi32, #tpu.memory_space<vmem>> -> memref<1x80xi32, #tpu.memory_space<vmem>>
        %dma_start3A_554 = tpu.memref_squeeze %dma_start3A_553 : memref<1x80xi32, #tpu.memory_space<vmem>> -> memref<80xi32, #tpu.memory_space<vmem>>
        %dma_start3A_555 = arith.constant 0 : i32
        %dma_start3A_556 = arith.constant 0 : i32
        %dma_start3A_557 = tpu.memref_slice %arg2[%arg0, %dma_start3A_555, %dma_start3A_556] : memref<2x10000x64xf32, #tpu.memory_space<hbm>> -> memref<1x10000x64xf32, #tpu.memory_space<hbm>>
        %dma_start3A_558 = tpu.memref_squeeze %dma_start3A_557 : memref<1x10000x64xf32, #tpu.memory_space<hbm>> -> memref<10000x64xf32, #tpu.memory_space<hbm>>
        %dma_start3A_559 = arith.constant 0 : i32
        %dma_start3A_560 = arith.constant 0 : i32
        %dma_start3A_561 = tpu.memref_slice %dma_start3A_558[%dma_start3A_559, %dma_start3A_560] : memref<10000x64xf32, #tpu.memory_space<hbm>> -> memref<10000x64xf32, #tpu.memory_space<hbm>>
        %dma_start3A_562 = tpu.memref_slice %arg14[%dma_start3A_547] : memref<2x!tpu.dma_semaphore, #tpu.memory_space<semaphore_mem>> -> memref<1x!tpu.dma_semaphore, #tpu.memory_space<semaphore_mem>>
        %dma_start3A_563 = tpu.memref_squeeze %dma_start3A_562 : memref<1x!tpu.dma_semaphore, #tpu.memory_space<semaphore_mem>> -> memref<!tpu.dma_semaphore, #tpu.memory_space<semaphore_mem>>
        tpu.enqueue_indirect_dma source(%dma_start3A_561 : memref<10000x64xf32, #tpu.memory_space<hbm>>) target(%dma_start3A_551 : memref<80x64xf32, #tpu.memory_space<vmem>>) offsets(%dma_start3A_554 : memref<80xi32, #tpu.memory_space<vmem>>) semaphore(%dma_start3A_563 : memref<!tpu.dma_semaphore, #tpu.memory_space<semaphore_mem>>)
      } else {
      }
      %dma_wait3A_353 = arith.constant 1 : i32
      %dma_wait3A_354 = arith.constant 1 : i32
      %dma_wait3A_355 = arith.constant 1 : i32
      %dma_wait3A_356 = arith.constant 0 : i32
      %dma_wait3A_357 = arith.constant 0 : i32
      %dma_wait3A_358 = tpu.memref_slice %arg12[%dma_wait3A_354, %dma_wait3A_356, %dma_wait3A_357] : memref<2x80x64xf32, #tpu.memory_space<vmem>> -> memref<1x80x64xf32, #tpu.memory_space<vmem>>
      %dma_wait3A_359 = tpu.memref_squeeze %dma_wait3A_358 : memref<1x80x64xf32, #tpu.memory_space<vmem>> -> memref<80x64xf32, #tpu.memory_space<vmem>>
      %dma_wait3A_360 = arith.constant 0 : i32
      %dma_wait3A_361 = tpu.memref_slice %arg8[%dma_wait3A_353, %dma_wait3A_360] : memref<2x80xi32, #tpu.memory_space<vmem>> -> memref<1x80xi32, #tpu.memory_space<vmem>>
      %dma_wait3A_362 = tpu.memref_squeeze %dma_wait3A_361 : memref<1x80xi32, #tpu.memory_space<vmem>> -> memref<80xi32, #tpu.memory_space<vmem>>
      %dma_wait3A_363 = arith.constant 0 : i32
      %dma_wait3A_364 = arith.constant 0 : i32
      %dma_wait3A_365 = tpu.memref_slice %arg2[%arg0, %dma_wait3A_363, %dma_wait3A_364] : memref<2x10000x64xf32, #tpu.memory_space<hbm>> -> memref<1x10000x64xf32, #tpu.memory_space<hbm>>
      %dma_wait3A_366 = tpu.memref_squeeze %dma_wait3A_365 : memref<1x10000x64xf32, #tpu.memory_space<hbm>> -> memref<10000x64xf32, #tpu.memory_space<hbm>>
      %dma_wait3A_367 = arith.constant 0 : i32
      %dma_wait3A_368 = arith.constant 0 : i32
      %dma_wait3A_369 = tpu.memref_slice %dma_wait3A_366[%dma_wait3A_367, %dma_wait3A_368] : memref<10000x64xf32, #tpu.memory_space<hbm>> -> memref<10000x64xf32, #tpu.memory_space<hbm>>
      %dma_wait3A_370 = tpu.memref_slice %arg14[%dma_wait3A_355] : memref<2x!tpu.dma_semaphore, #tpu.memory_space<semaphore_mem>> -> memref<1x!tpu.dma_semaphore, #tpu.memory_space<semaphore_mem>>
      %dma_wait3A_371 = tpu.memref_squeeze %dma_wait3A_370 : memref<1x!tpu.dma_semaphore, #tpu.memory_space<semaphore_mem>> -> memref<!tpu.dma_semaphore, #tpu.memory_space<semaphore_mem>>
      tpu.wait_indirect_dma semaphore(%dma_wait3A_371 : memref<!tpu.dma_semaphore, #tpu.memory_space<semaphore_mem>>) src(%dma_wait3A_369 : memref<10000x64xf32, #tpu.memory_space<hbm>>) dst(%dma_wait3A_359 : memref<80x64xf32, #tpu.memory_space<vmem>>)
      %get3A_372 = arith.constant 1 : i32
      %get3A_373 = arith.index_cast %get3A_372 : i32 to index
      %get3A_374 = arith.constant 0 : index
      %get3A_375 = tpu.vector_load %arg9[%get3A_373, %get3A_374] {strides = array<i32>} : memref<2x80xi32, #tpu.memory_space<vmem>>, vector<1x16xi32>,
      %get3A_376 = vector.shape_cast %get3A_375 : vector<1x16xi32> to vector<16xi32>
      %get3A_377 = arith.constant 1 : i32
      %get3A_378 = arith.index_cast %get3A_377 : i32 to index
      %get3A_379 = arith.constant 0 : index
      %get3A_380 = tpu.vector_load %arg10[%get3A_378, %get3A_379] {strides = array<i32>} : memref<2x80xi32, #tpu.memory_space<vmem>>, vector<1x16xi32>,
      %get3A_381 = vector.shape_cast %get3A_380 : vector<1x16xi32> to vector<16xi32>
      %mul3A_382 = arith.constant 10000 : i32
      %mul3A_383 = vector.broadcast %mul3A_382 : i32 to vector<16xi32>
      %mul3A_384 = arith.muli %get3A_381, %mul3A_383 : vector<16xi32>
      %add3A_385 = arith.addi %mul3A_384, %get3A_376 : vector<16xi32>
      %swap3A_386 = arith.constant 1 : i32
      %swap3A_387 = arith.index_cast %swap3A_386 : i32 to index
      %swap3A_388 = arith.constant 0 : index
      %swap3A_389 = tpu.vector_load %arg11[%swap3A_387, %swap3A_388] {strides = array<i32>} : memref<2x80xi32, #tpu.memory_space<vmem>>, vector<1x16xi32>,
      %swap3A_390 = vector.shape_cast %swap3A_389 : vector<1x16xi32> to vector<16xi32>
      %swap3A_391 = vector.shape_cast %add3A_385 : vector<16xi32> to vector<1x16xi32>
      tpu.vector_store %arg11[%swap3A_387, %swap3A_388], %swap3A_391 {strides = array<i32>} : memref<2x80xi32, #tpu.memory_space<vmem>>, vector<1x16xi32>,
      %get3A_392 = arith.constant 1 : i32
      %get3A_393 = arith.index_cast %get3A_392 : i32 to index
      %get3A_394 = arith.constant 16 : index
      %get3A_395 = tpu.vector_load %arg9[%get3A_393, %get3A_394] {strides = array<i32>} : memref<2x80xi32, #tpu.memory_space<vmem>>, vector<1x16xi32>,
      %get3A_396 = vector.shape_cast %get3A_395 : vector<1x16xi32> to vector<16xi32>
      %get3A_397 = arith.constant 1 : i32
      %get3A_398 = arith.index_cast %get3A_397 : i32 to index
      %get3A_399 = arith.constant 16 : index
      %get3A_400 = tpu.vector_load %arg10[%get3A_398, %get3A_399] {strides = array<i32>} : memref<2x80xi32, #tpu.memory_space<vmem>>, vector<1x16xi32>,
      %get3A_401 = vector.shape_cast %get3A_400 : vector<1x16xi32> to vector<16xi32>
      %mul3A_402 = arith.constant 10000 : i32
      %mul3A_403 = vector.broadcast %mul3A_402 : i32 to vector<16xi32>
      %mul3A_404 = arith.muli %get3A_401, %mul3A_403 : vector<16xi32>
      %add3A_405 = arith.addi %mul3A_404, %get3A_396 : vector<16xi32>
      %swap3A_406 = arith.constant 1 : i32
      %swap3A_407 = arith.index_cast %swap3A_406 : i32 to index
      %swap3A_408 = arith.constant 16 : index
      %swap3A_409 = tpu.vector_load %arg11[%swap3A_407, %swap3A_408] {strides = array<i32>} : memref<2x80xi32, #tpu.memory_space<vmem>>, vector<1x16xi32>,
      %swap3A_410 = vector.shape_cast %swap3A_409 : vector<1x16xi32> to vector<16xi32>
      %swap3A_411 = vector.shape_cast %add3A_405 : vector<16xi32> to vector<1x16xi32>
      tpu.vector_store %arg11[%swap3A_407, %swap3A_408], %swap3A_411 {strides = array<i32>} : memref<2x80xi32, #tpu.memory_space<vmem>>, vector<1x16xi32>,
      %get3A_412 = arith.constant 1 : i32
      %get3A_413 = arith.index_cast %get3A_412 : i32 to index
      %get3A_414 = arith.constant 32 : index
      %get3A_415 = tpu.vector_load %arg9[%get3A_413, %get3A_414] {strides = array<i32>} : memref<2x80xi32, #tpu.memory_space<vmem>>, vector<1x16xi32>,
      %get3A_416 = vector.shape_cast %get3A_415 : vector<1x16xi32> to vector<16xi32>
      %get3A_417 = arith.constant 1 : i32
      %get3A_418 = arith.index_cast %get3A_417 : i32 to index
      %get3A_419 = arith.constant 32 : index
      %get3A_420 = tpu.vector_load %arg10[%get3A_418, %get3A_419] {strides = array<i32>} : memref<2x80xi32, #tpu.memory_space<vmem>>, vector<1x16xi32>,
      %get3A_421 = vector.shape_cast %get3A_420 : vector<1x16xi32> to vector<16xi32>
      %mul3A_422 = arith.constant 10000 : i32
      %mul3A_423 = vector.broadcast %mul3A_422 : i32 to vector<16xi32>
      %mul3A_424 = arith.muli %get3A_421, %mul3A_423 : vector<16xi32>
      %add3A_425 = arith.addi %mul3A_424, %get3A_416 : vector<16xi32>
      %swap3A_426 = arith.constant 1 : i32
      %swap3A_427 = arith.index_cast %swap3A_426 : i32 to index
      %swap3A_428 = arith.constant 32 : index
      %swap3A_429 = tpu.vector_load %arg11[%swap3A_427, %swap3A_428] {strides = array<i32>} : memref<2x80xi32, #tpu.memory_space<vmem>>, vector<1x16xi32>,
      %swap3A_430 = vector.shape_cast %swap3A_429 : vector<1x16xi32> to vector<16xi32>
      %swap3A_431 = vector.shape_cast %add3A_425 : vector<16xi32> to vector<1x16xi32>
      tpu.vector_store %arg11[%swap3A_427, %swap3A_428], %swap3A_431 {strides = array<i32>} : memref<2x80xi32, #tpu.memory_space<vmem>>, vector<1x16xi32>,
      %get3A_432 = arith.constant 1 : i32
      %get3A_433 = arith.index_cast %get3A_432 : i32 to index
      %get3A_434 = arith.constant 48 : index
      %get3A_435 = tpu.vector_load %arg9[%get3A_433, %get3A_434] {strides = array<i32>} : memref<2x80xi32, #tpu.memory_space<vmem>>, vector<1x16xi32>,
      %get3A_436 = vector.shape_cast %get3A_435 : vector<1x16xi32> to vector<16xi32>
      %get3A_437 = arith.constant 1 : i32
      %get3A_438 = arith.index_cast %get3A_437 : i32 to index
      %get3A_439 = arith.constant 48 : index
      %get3A_440 = tpu.vector_load %arg10[%get3A_438, %get3A_439] {strides = array<i32>} : memref<2x80xi32, #tpu.memory_space<vmem>>, vector<1x16xi32>,
      %get3A_441 = vector.shape_cast %get3A_440 : vector<1x16xi32> to vector<16xi32>
      %mul3A_442 = arith.constant 10000 : i32
      %mul3A_443 = vector.broadcast %mul3A_442 : i32 to vector<16xi32>
      %mul3A_444 = arith.muli %get3A_441, %mul3A_443 : vector<16xi32>
      %add3A_445 = arith.addi %mul3A_444, %get3A_436 : vector<16xi32>
      %swap3A_446 = arith.constant 1 : i32
      %swap3A_447 = arith.index_cast %swap3A_446 : i32 to index
      %swap3A_448 = arith.constant 48 : index
      %swap3A_449 = tpu.vector_load %arg11[%swap3A_447, %swap3A_448] {strides = array<i32>} : memref<2x80xi32, #tpu.memory_space<vmem>>, vector<1x16xi32>,
      %swap3A_450 = vector.shape_cast %swap3A_449 : vector<1x16xi32> to vector<16xi32>
      %swap3A_451 = vector.shape_cast %add3A_445 : vector<16xi32> to vector<1x16xi32>
      tpu.vector_store %arg11[%swap3A_447, %swap3A_448], %swap3A_451 {strides = array<i32>} : memref<2x80xi32, #tpu.memory_space<vmem>>, vector<1x16xi32>,
      %get3A_452 = arith.constant 1 : i32
      %get3A_453 = arith.index_cast %get3A_452 : i32 to index
      %get3A_454 = arith.constant 64 : index
      %get3A_455 = tpu.vector_load %arg9[%get3A_453, %get3A_454] {strides = array<i32>} : memref<2x80xi32, #tpu.memory_space<vmem>>, vector<1x16xi32>,
      %get3A_456 = vector.shape_cast %get3A_455 : vector<1x16xi32> to vector<16xi32>
      %get3A_457 = arith.constant 1 : i32
      %get3A_458 = arith.index_cast %get3A_457 : i32 to index
      %get3A_459 = arith.constant 64 : index
      %get3A_460 = tpu.vector_load %arg10[%get3A_458, %get3A_459] {strides = array<i32>} : memref<2x80xi32, #tpu.memory_space<vmem>>, vector<1x16xi32>,
      %get3A_461 = vector.shape_cast %get3A_460 : vector<1x16xi32> to vector<16xi32>
      %mul3A_462 = arith.constant 10000 : i32
      %mul3A_463 = vector.broadcast %mul3A_462 : i32 to vector<16xi32>
      %mul3A_464 = arith.muli %get3A_461, %mul3A_463 : vector<16xi32>
      %add3A_465 = arith.addi %mul3A_464, %get3A_456 : vector<16xi32>
      %swap3A_466 = arith.constant 1 : i32
      %swap3A_467 = arith.index_cast %swap3A_466 : i32 to index
      %swap3A_468 = arith.constant 64 : index
      %swap3A_469 = tpu.vector_load %arg11[%swap3A_467, %swap3A_468] {strides = array<i32>} : memref<2x80xi32, #tpu.memory_space<vmem>>, vector<1x16xi32>,
      %swap3A_470 = vector.shape_cast %swap3A_469 : vector<1x16xi32> to vector<16xi32>
      %swap3A_471 = vector.shape_cast %add3A_465 : vector<16xi32> to vector<1x16xi32>
      tpu.vector_store %arg11[%swap3A_467, %swap3A_468], %swap3A_471 {strides = array<i32>} : memref<2x80xi32, #tpu.memory_space<vmem>>, vector<1x16xi32>,
      %dma_start3A_472 = arith.constant 1 : i32
      %dma_start3A_473 = arith.constant 1 : i32
      %dma_start3A_474 = arith.constant 1 : i32
      %dma_start3A_475 = arith.constant 0 : i32
      %dma_start3A_476 = arith.constant 0 : i32
      %dma_start3A_477 = tpu.memref_slice %arg12[%dma_start3A_472, %dma_start3A_475, %dma_start3A_476] : memref<2x80x64xf32, #tpu.memory_space<vmem>> -> memref<1x80x64xf32, #tpu.memory_space<vmem>>
      %dma_start3A_478 = tpu.memref_squeeze %dma_start3A_477 : memref<1x80x64xf32, #tpu.memory_space<vmem>> -> memref<80x64xf32, #tpu.memory_space<vmem>>
      %dma_start3A_479 = arith.constant 0 : i32
      %dma_start3A_480 = tpu.memref_slice %arg11[%dma_start3A_473, %dma_start3A_479] : memref<2x80xi32, #tpu.memory_space<vmem>> -> memref<1x80xi32, #tpu.memory_space<vmem>>
      %dma_start3A_481 = tpu.memref_squeeze %dma_start3A_480 : memref<1x80xi32, #tpu.memory_space<vmem>> -> memref<80xi32, #tpu.memory_space<vmem>>
      %dma_start3A_482 = arith.constant 0 : i32
      %dma_start3A_483 = arith.constant 0 : i32
      %dma_start3A_484 = tpu.memref_slice %arg7[%dma_start3A_482, %dma_start3A_483] : memref<30000x64xf32, #tpu.memory_space<vmem_shared>> -> memref<30000x64xf32, #tpu.memory_space<vmem_shared>>
      %dma_start3A_485 = tpu.memref_slice %arg15[%dma_start3A_474] : memref<2x!tpu.dma_semaphore, #tpu.memory_space<semaphore_mem>> -> memref<1x!tpu.dma_semaphore, #tpu.memory_space<semaphore_mem>>
      %dma_start3A_486 = tpu.memref_squeeze %dma_start3A_485 : memref<1x!tpu.dma_semaphore, #tpu.memory_space<semaphore_mem>> -> memref<!tpu.dma_semaphore, #tpu.memory_space<semaphore_mem>>
      tpu.enqueue_indirect_dma source(%dma_start3A_478 : memref<80x64xf32, #tpu.memory_space<vmem>>) target(%dma_start3A_484 : memref<30000x64xf32, #tpu.memory_space<vmem_shared>>) offsets(%dma_start3A_481 : memref<80xi32, #tpu.memory_space<vmem>>) semaphore(%dma_start3A_486 : memref<!tpu.dma_semaphore, #tpu.memory_space<semaphore_mem>>) {add = true}
      %add3A_487 = arith.constant 2 : i32
      %add3A_488 = arith.addi %add3A_345, %add3A_487 : i32
      %lt3A_489 = arith.constant 250 : i32
      %lt3A_490 = arith.cmpi slt, %add3A_488, %lt3A_489 : i32
      %convert_element_type3A_491 = arith.extui %lt3A_490 : i1 to i32
      %cond3A_492 = arith.constant 0 : i32
      %cond3A_493 = arith.cmpi ne, %convert_element_type3A_491, %cond3A_492 : i32
      scf.if %cond3A_493 {
        %add3A_494 = arith.constant 2 : i32
        %add3A_495 = arith.addi %add3A_345, %add3A_494 : i32
        %mul3A_496 = arith.constant 80 : i32
        %mul3A_497 = arith.muli %add3A_495, %mul3A_496 : i32
        %add3A_498 = arith.addi %mul3A_0, %mul3A_497 : i32
        %dma_start3A_499 = arith.constant 0 : i32
        %dma_start3A_500 = arith.constant 1 : i32
        %dma_start3A_501 = arith.constant 1 : i32
        %dma_start3A_502 = arith.constant 0 : i32
        %dma_start3A_503 = tpu.memref_slice %arg8[%dma_start3A_500, %dma_start3A_502] : memref<2x80xi32, #tpu.memory_space<vmem>> -> memref<1x80xi32, #tpu.memory_space<vmem>>
        %dma_start3A_504 = tpu.memref_squeeze %dma_start3A_503 : memref<1x80xi32, #tpu.memory_space<vmem>> -> memref<80xi32, #tpu.memory_space<vmem>>
        %dma_start3A_505 = tpu.memref_slice %arg3[%dma_start3A_499, %add3A_498] : memref<2x320000xi32, #tpu.memory_space<hbm>> -> memref<1x80xi32, #tpu.memory_space<hbm>>
        %dma_start3A_506 = tpu.memref_squeeze %dma_start3A_505 : memref<1x80xi32, #tpu.memory_space<hbm>> -> memref<80xi32, #tpu.memory_space<hbm>>
        %dma_start3A_507 = tpu.memref_slice %arg13[%dma_start3A_501] : memref<2x!tpu.dma_semaphore, #tpu.memory_space<semaphore_mem>> -> memref<1x!tpu.dma_semaphore, #tpu.memory_space<semaphore_mem>>
        %dma_start3A_508 = tpu.memref_squeeze %dma_start3A_507 : memref<1x!tpu.dma_semaphore, #tpu.memory_space<semaphore_mem>> -> memref<!tpu.dma_semaphore, #tpu.memory_space<semaphore_mem>>
        %dma_start3A_509 = arith.constant 0 : i32
        %dma_start3A_510 = tpu.memref_slice %arg8[%dma_start3A_500, %dma_start3A_509] : memref<2x80xi32, #tpu.memory_space<vmem>> -> memref<1x80xi32, #tpu.memory_space<vmem>>
        %dma_start3A_511 = tpu.memref_squeeze %dma_start3A_510 : memref<1x80xi32, #tpu.memory_space<vmem>> -> memref<80xi32, #tpu.memory_space<vmem>>
        %dma_start3A_512 = tpu.memref_slice %arg3[%dma_start3A_499, %add3A_498] : memref<2x320000xi32, #tpu.memory_space<hbm>> -> memref<1x80xi32, #tpu.memory_space<hbm>>
        %dma_start3A_513 = tpu.memref_squeeze %dma_start3A_512 : memref<1x80xi32, #tpu.memory_space<hbm>> -> memref<80xi32, #tpu.memory_space<hbm>>
        tpu.enqueue_dma source(%dma_start3A_513 : memref<80xi32, #tpu.memory_space<hbm>>) target(%dma_start3A_511 : memref<80xi32, #tpu.memory_space<vmem>>) target_semaphore(%dma_start3A_508 : memref<!tpu.dma_semaphore, #tpu.memory_space<semaphore_mem>>)
        %dma_start3A_514 = arith.constant 1 : i32
        %dma_start3A_515 = arith.constant 1 : i32
        %dma_start3A_516 = arith.constant 1 : i32
        %dma_start3A_517 = arith.constant 0 : i32
        %dma_start3A_518 = tpu.memref_slice %arg9[%dma_start3A_515, %dma_start3A_517] : memref<2x80xi32, #tpu.memory_space<vmem>> -> memref<1x80xi32, #tpu.memory_space<vmem>>
        %dma_start3A_519 = tpu.memref_squeeze %dma_start3A_518 : memref<1x80xi32, #tpu.memory_space<vmem>> -> memref<80xi32, #tpu.memory_space<vmem>>
        %dma_start3A_520 = tpu.memref_slice %arg3[%dma_start3A_514, %add3A_498] : memref<2x320000xi32, #tpu.memory_space<hbm>> -> memref<1x80xi32, #tpu.memory_space<hbm>>
        %dma_start3A_521 = tpu.memref_squeeze %dma_start3A_520 : memref<1x80xi32, #tpu.memory_space<hbm>> -> memref<80xi32, #tpu.memory_space<hbm>>
        %dma_start3A_522 = tpu.memref_slice %arg13[%dma_start3A_516] : memref<2x!tpu.dma_semaphore, #tpu.memory_space<semaphore_mem>> -> memref<1x!tpu.dma_semaphore, #tpu.memory_space<semaphore_mem>>
        %dma_start3A_523 = tpu.memref_squeeze %dma_start3A_522 : memref<1x!tpu.dma_semaphore, #tpu.memory_space<semaphore_mem>> -> memref<!tpu.dma_semaphore, #tpu.memory_space<semaphore_mem>>
        %dma_start3A_524 = arith.constant 0 : i32
        %dma_start3A_525 = tpu.memref_slice %arg9[%dma_start3A_515, %dma_start3A_524] : memref<2x80xi32, #tpu.memory_space<vmem>> -> memref<1x80xi32, #tpu.memory_space<vmem>>
        %dma_start3A_526 = tpu.memref_squeeze %dma_start3A_525 : memref<1x80xi32, #tpu.memory_space<vmem>> -> memref<80xi32, #tpu.memory_space<vmem>>
        %dma_start3A_527 = tpu.memref_slice %arg3[%dma_start3A_514, %add3A_498] : memref<2x320000xi32, #tpu.memory_space<hbm>> -> memref<1x80xi32, #tpu.memory_space<hbm>>
        %dma_start3A_528 = tpu.memref_squeeze %dma_start3A_527 : memref<1x80xi32, #tpu.memory_space<hbm>> -> memref<80xi32, #tpu.memory_space<hbm>>
        tpu.enqueue_dma source(%dma_start3A_528 : memref<80xi32, #tpu.memory_space<hbm>>) target(%dma_start3A_526 : memref<80xi32, #tpu.memory_space<vmem>>) target_semaphore(%dma_start3A_523 : memref<!tpu.dma_semaphore, #tpu.memory_space<semaphore_mem>>)
        %dma_start3A_529 = arith.constant 1 : i32
        %dma_start3A_530 = arith.constant 1 : i32
        %dma_start3A_531 = arith.constant 0 : i32
        %dma_start3A_532 = tpu.memref_slice %arg10[%dma_start3A_529, %dma_start3A_531] : memref<2x80xi32, #tpu.memory_space<vmem>> -> memref<1x80xi32, #tpu.memory_space<vmem>>
        %dma_start3A_533 = tpu.memref_squeeze %dma_start3A_532 : memref<1x80xi32, #tpu.memory_space<vmem>> -> memref<80xi32, #tpu.memory_space<vmem>>
        %dma_start3A_534 = tpu.memref_slice %arg4[%add3A_498] : memref<320000xi32, #tpu.memory_space<hbm>> -> memref<80xi32, #tpu.memory_space<hbm>>
        %dma_start3A_535 = tpu.memref_slice %arg13[%dma_start3A_530] : memref<2x!tpu.dma_semaphore, #tpu.memory_space<semaphore_mem>> -> memref<1x!tpu.dma_semaphore, #tpu.memory_space<semaphore_mem>>
        %dma_start3A_536 = tpu.memref_squeeze %dma_start3A_535 : memref<1x!tpu.dma_semaphore, #tpu.memory_space<semaphore_mem>> -> memref<!tpu.dma_semaphore, #tpu.memory_space<semaphore_mem>>
        %dma_start3A_537 = arith.constant 0 : i32
        %dma_start3A_538 = tpu.memref_slice %arg10[%dma_start3A_529, %dma_start3A_537] : memref<2x80xi32, #tpu.memory_space<vmem>> -> memref<1x80xi32, #tpu.memory_space<vmem>>
        %dma_start3A_539 = tpu.memref_squeeze %dma_start3A_538 : memref<1x80xi32, #tpu.memory_space<vmem>> -> memref<80xi32, #tpu.memory_space<vmem>>
        %dma_start3A_540 = tpu.memref_slice %arg4[%add3A_498] : memref<320000xi32, #tpu.memory_space<hbm>> -> memref<80xi32, #tpu.memory_space<hbm>>
        tpu.enqueue_dma source(%dma_start3A_540 : memref<80xi32, #tpu.memory_space<hbm>>) target(%dma_start3A_539 : memref<80xi32, #tpu.memory_space<vmem>>) target_semaphore(%dma_start3A_536 : memref<!tpu.dma_semaphore, #tpu.memory_space<semaphore_mem>>)
      } else {
      }
    }
    %scan3A_156 = arith.constant 125 : i32
    %dma_wait3A_157 = arith.constant 0 : i32
    %dma_wait3A_158 = arith.constant 0 : i32
    %dma_wait3A_159 = arith.constant 0 : i32
    %dma_wait3A_160 = arith.constant 0 : i32
    %dma_wait3A_161 = arith.constant 0 : i32
    %dma_wait3A_162 = tpu.memref_slice %arg12[%dma_wait3A_157, %dma_wait3A_160, %dma_wait3A_161] : memref<2x80x64xf32, #tpu.memory_space<vmem>> -> memref<1x80x64xf32, #tpu.memory_space<vmem>>
    %dma_wait3A_163 = tpu.memref_squeeze %dma_wait3A_162 : memref<1x80x64xf32, #tpu.memory_space<vmem>> -> memref<80x64xf32, #tpu.memory_space<vmem>>
    %dma_wait3A_164 = arith.constant 0 : i32
    %dma_wait3A_165 = tpu.memref_slice %arg11[%dma_wait3A_158, %dma_wait3A_164] : memref<2x80xi32, #tpu.memory_space<vmem>> -> memref<1x80xi32, #tpu.memory_space<vmem>>
    %dma_wait3A_166 = tpu.memref_squeeze %dma_wait3A_165 : memref<1x80xi32, #tpu.memory_space<vmem>> -> memref<80xi32, #tpu.memory_space<vmem>>
    %dma_wait3A_167 = arith.constant 0 : i32
    %dma_wait3A_168 = arith.constant 0 : i32
    %dma_wait3A_169 = tpu.memref_slice %arg7[%dma_wait3A_167, %dma_wait3A_168] : memref<30000x64xf32, #tpu.memory_space<vmem_shared>> -> memref<30000x64xf32, #tpu.memory_space<vmem_shared>>
    %dma_wait3A_170 = tpu.memref_slice %arg15[%dma_wait3A_159] : memref<2x!tpu.dma_semaphore, #tpu.memory_space<semaphore_mem>> -> memref<1x!tpu.dma_semaphore, #tpu.memory_space<semaphore_mem>>
    %dma_wait3A_171 = tpu.memref_squeeze %dma_wait3A_170 : memref<1x!tpu.dma_semaphore, #tpu.memory_space<semaphore_mem>> -> memref<!tpu.dma_semaphore, #tpu.memory_space<semaphore_mem>>
    tpu.wait_indirect_dma semaphore(%dma_wait3A_171 : memref<!tpu.dma_semaphore, #tpu.memory_space<semaphore_mem>>) src(%dma_wait3A_163 : memref<80x64xf32, #tpu.memory_space<vmem>>) dst(%dma_wait3A_169 : memref<30000x64xf32, #tpu.memory_space<vmem_shared>>)
    %dma_wait3A_172 = arith.constant 1 : i32
    %dma_wait3A_173 = arith.constant 1 : i32
    %dma_wait3A_174 = arith.constant 1 : i32
    %dma_wait3A_175 = arith.constant 0 : i32
    %dma_wait3A_176 = arith.constant 0 : i32
    %dma_wait3A_177 = tpu.memref_slice %arg12[%dma_wait3A_172, %dma_wait3A_175, %dma_wait3A_176] : memref<2x80x64xf32, #tpu.memory_space<vmem>> -> memref<1x80x64xf32, #tpu.memory_space<vmem>>
    %dma_wait3A_178 = tpu.memref_squeeze %dma_wait3A_177 : memref<1x80x64xf32, #tpu.memory_space<vmem>> -> memref<80x64xf32, #tpu.memory_space<vmem>>
    %dma_wait3A_179 = arith.constant 0 : i32
    %dma_wait3A_180 = tpu.memref_slice %arg11[%dma_wait3A_173, %dma_wait3A_179] : memref<2x80xi32, #tpu.memory_space<vmem>> -> memref<1x80xi32, #tpu.memory_space<vmem>>
    %dma_wait3A_181 = tpu.memref_squeeze %dma_wait3A_180 : memref<1x80xi32, #tpu.memory_space<vmem>> -> memref<80xi32, #tpu.memory_space<vmem>>
    %dma_wait3A_182 = arith.constant 0 : i32
    %dma_wait3A_183 = arith.constant 0 : i32
    %dma_wait3A_184 = tpu.memref_slice %arg7[%dma_wait3A_182, %dma_wait3A_183] : memref<30000x64xf32, #tpu.memory_space<vmem_shared>> -> memref<30000x64xf32, #tpu.memory_space<vmem_shared>>
    %dma_wait3A_185 = tpu.memref_slice %arg15[%dma_wait3A_174] : memref<2x!tpu.dma_semaphore, #tpu.memory_space<semaphore_mem>> -> memref<1x!tpu.dma_semaphore, #tpu.memory_space<semaphore_mem>>
    %dma_wait3A_186 = tpu.memref_squeeze %dma_wait3A_185 : memref<1x!tpu.dma_semaphore, #tpu.memory_space<semaphore_mem>> -> memref<!tpu.dma_semaphore, #tpu.memory_space<semaphore_mem>>
    tpu.wait_indirect_dma semaphore(%dma_wait3A_186 : memref<!tpu.dma_semaphore, #tpu.memory_space<semaphore_mem>>) src(%dma_wait3A_178 : memref<80x64xf32, #tpu.memory_space<vmem>>) dst(%dma_wait3A_184 : memref<30000x64xf32, #tpu.memory_space<vmem_shared>>)
    %barrier3A_187 = arith.constant 0 : index
    tpu.barrier barrier_id(%barrier3A_187)
    %mul3A_188 = arith.constant 1875 : i32
    %mul3A_189 = arith.muli %arg1, %mul3A_188 : i32
    %mul3A_190 = arith.constant 1875 : i32
    %mul3A_191 = arith.muli %arg1, %mul3A_190 : i32
    %mul3A_192 = arith.constant 64 : i32
    %mul3A_193 = arith.muli %arg0, %mul3A_192 : i32
    "tpu.region"() ({
      %run_scoped3A = tpu.sem_alloc : memref<!tpu.dma_semaphore, #tpu.memory_space<semaphore_mem>>
      %dma_start3A_194 = tpu.memref_slice %arg6[%mul3A_191, %mul3A_193] : memref<30000x128xf32, #tpu.memory_space<hbm>> -> memref<1875x64xf32, #tpu.memory_space<hbm>>
      %dma_start3A_195 = arith.constant 0 : i32
      %dma_start3A_196 = tpu.memref_slice %arg7[%mul3A_189, %dma_start3A_195] : memref<30000x64xf32, #tpu.memory_space<vmem_shared>> -> memref<1875x64xf32, #tpu.memory_space<vmem_shared>>
      tpu.enqueue_dma source(%dma_start3A_196 : memref<1875x64xf32, #tpu.memory_space<vmem_shared>>) target(%dma_start3A_194 : memref<1875x64xf32, #tpu.memory_space<hbm>>) target_semaphore(%run_scoped3A : memref<!tpu.dma_semaphore, #tpu.memory_space<semaphore_mem>>)
      %dma_wait3A_197 = tpu.memref_slice %arg6[%mul3A_191, %mul3A_193] : memref<30000x128xf32, #tpu.memory_space<hbm>> -> memref<1875x64xf32, #tpu.memory_space<hbm>>
      %dma_wait3A_198 = arith.constant 0 : i32
      %dma_wait3A_199 = tpu.memref_slice %arg7[%mul3A_189, %dma_wait3A_198] : memref<30000x64xf32, #tpu.memory_space<vmem_shared>> -> memref<1875x64xf32, #tpu.memory_space<vmem_shared>>
      tpu.wait_dma2 semaphore(%run_scoped3A : memref<!tpu.dma_semaphore, #tpu.memory_space<semaphore_mem>>) src(%dma_wait3A_199 : memref<1875x64xf32, #tpu.memory_space<vmem_shared>>) dst(%dma_wait3A_197 : memref<1875x64xf32, #tpu.memory_space<hbm>>)
      tpu.yield
    }) : () -> ()
    return
  }
}

module attributes {stable_mosaic.version = 14 : i64} {
  func.func @body(%arg0: i32, %arg1: memref<2000x128xf32, #tpu.memory_space<vmem>>, %arg2: memref<2x1000x128xf32, #tpu.memory_space<vmem>>, %arg3: memref<3000x128xf32, #tpu.memory_space<vmem>>) attributes {dimension_semantics = [#tpu.dimension_semantics<arbitrary>], iteration_bounds = array<i64: 5>, scalar_prefetch = 0 : i64, scratch_operands = 0 : i64, tpu.core_type = #tpu.core_type<tc>, window_params = [{transform_indices = @transform_0, window_bounds = array<i64: 2000, 128>}, {transform_indices = @transform_1, window_bounds = array<i64: 2, 1000, 128>}, {transform_indices = @transform_2, window_bounds = array<i64: 3000, 128>}]} {
    %get3A = arith.constant 0 : index
    %get3A_0 = arith.constant 0 : index
    %get3A_1 = vector.load %arg1[%get3A, %get3A_0] : memref<2000x128xf32, #tpu.memory_space<vmem>>, vector<2000x128xf32>
    %reshape3A = vector.shape_cast %get3A_1 : vector<2000x128xf32> to vector<1000x256xf32>
    %slice3A = vector.extract_strided_slice %reshape3A {offsets = [0, 0], sizes = [1000, 64], strides = [1, 1]} : vector<1000x256xf32> to vector<1000x64xf32>
    %slice3A_2 = vector.extract_strided_slice %reshape3A {offsets = [0, 128], sizes = [1000, 64], strides = [1, 1]} : vector<1000x256xf32> to vector<1000x64xf32>
    %concatenate3A = tpu.concatenate %slice3A, %slice3A_2 in 1 : vector<1000x64xf32>, vector<1000x64xf32> -> vector<1000x128xf32>
    %swap3A = arith.constant 0 : index
    %swap3A_3 = arith.constant 0 : index
    %swap3A_4 = arith.constant 0 : index
    %swap3A_5 = vector.load %arg2[%swap3A, %swap3A_3, %swap3A_4] : memref<2x1000x128xf32, #tpu.memory_space<vmem>>, vector<1x1000x128xf32>
    %swap3A_6 = vector.shape_cast %swap3A_5 : vector<1x1000x128xf32> to vector<1000x128xf32>
    %swap3A_7 = vector.shape_cast %concatenate3A : vector<1000x128xf32> to vector<1x1000x128xf32>
    tpu.vector_store %arg2[%swap3A, %swap3A_3, %swap3A_4], %swap3A_7 {strides = array<i32>} : memref<2x1000x128xf32, #tpu.memory_space<vmem>>, vector<1x1000x128xf32>,
    %slice3A_8 = vector.extract_strided_slice %reshape3A {offsets = [0, 64], sizes = [1000, 64], strides = [1, 1]} : vector<1000x256xf32> to vector<1000x64xf32>
    %slice3A_9 = vector.extract_strided_slice %reshape3A {offsets = [0, 192], sizes = [1000, 64], strides = [1, 1]} : vector<1000x256xf32> to vector<1000x64xf32>
    %concatenate3A_10 = tpu.concatenate %slice3A_8, %slice3A_9 in 1 : vector<1000x64xf32>, vector<1000x64xf32> -> vector<1000x128xf32>
    %swap3A_11 = arith.constant 1 : index
    %swap3A_12 = arith.constant 0 : index
    %swap3A_13 = arith.constant 0 : index
    %swap3A_14 = vector.load %arg2[%swap3A_11, %swap3A_12, %swap3A_13] : memref<2x1000x128xf32, #tpu.memory_space<vmem>>, vector<1x1000x128xf32>
    %swap3A_15 = vector.shape_cast %swap3A_14 : vector<1x1000x128xf32> to vector<1000x128xf32>
    %swap3A_16 = vector.shape_cast %concatenate3A_10 : vector<1000x128xf32> to vector<1x1000x128xf32>
    tpu.vector_store %arg2[%swap3A_11, %swap3A_12, %swap3A_13], %swap3A_16 {strides = array<i32>} : memref<2x1000x128xf32, #tpu.memory_space<vmem>>, vector<1x1000x128xf32>,
    %broadcast_in_dim3A = arith.constant 0.000000e+00 : f32
    %broadcast_in_dim3A_17 = vector.broadcast %broadcast_in_dim3A : f32 to vector<3000x128xf32>
    %swap3A_18 = arith.constant 0 : index
    %swap3A_19 = arith.constant 0 : index
    %swap3A_20 = vector.load %arg3[%swap3A_18, %swap3A_19] : memref<3000x128xf32, #tpu.memory_space<vmem>>, vector<3000x128xf32>
    tpu.vector_store %arg3[%swap3A_18, %swap3A_19], %broadcast_in_dim3A_17 {strides = array<i32>} : memref<3000x128xf32, #tpu.memory_space<vmem>>, vector<3000x128xf32>,
    return
  }
  func.func @transform_0(%arg0: i32) -> (i32, i32) {
    %c0_i32 = arith.constant 0 : i32
    %c0_i32_0 = arith.constant 0 : i32
    return %arg0, %c0_i32 : i32, i32
  }
  func.func @transform_1(%arg0: i32) -> (i32, i32, i32) {
    %c0_i32 = arith.constant 0 : i32
    %c0_i32_0 = arith.constant 0 : i32
    %c0_i32_1 = arith.constant 0 : i32
    return %c0_i32, %arg0, %c0_i32_0 : i32, i32, i32
  }
  func.func @transform_2(%arg0: i32) -> (i32, i32) {
    %c0_i32 = arith.constant 0 : i32
    %c0_i32_0 = arith.constant 0 : i32
    return %arg0, %c0_i32 : i32, i32
  }
}

module attributes {stable_mosaic.version = 14 : i64} {
  func.func @_tc_body(%arg0: i32, %arg1: memref<2000x128xf32, #tpu.memory_space<vmem>>, %arg2: memref<2000x128xf32, #tpu.memory_space<vmem>>, %arg3: memref<2000x128xf32, #tpu.memory_space<vmem>>, %arg4: memref<2000x128xf32, #tpu.memory_space<vmem>>, %arg5: memref<128x128xf32, #tpu.memory_space<vmem>>, %arg6: memref<1x128xf32, #tpu.memory_space<vmem>>, %arg7: memref<128x128xf32, #tpu.memory_space<vmem>>, %arg8: memref<1x128xf32, #tpu.memory_space<vmem>>, %arg9: memref<128x128xf32, #tpu.memory_space<vmem>>, %arg10: memref<1x128xf32, #tpu.memory_space<vmem>>, %arg11: memref<128x128xf32, #tpu.memory_space<vmem>>, %arg12: memref<1x128xf32, #tpu.memory_space<vmem>>, %arg13: memref<3x2000x128xf32, #tpu.memory_space<vmem>>) attributes {dimension_semantics = [#tpu.dimension_semantics<arbitrary>], iteration_bounds = array<i64: 5>, scalar_prefetch = 0 : i64, scratch_operands = 0 : i64, tpu.core_type = #tpu.core_type<tc>, window_params = [{transform_indices = @transform_0, window_bounds = array<i64: 2000, 128>}, {transform_indices = @transform_1, window_bounds = array<i64: 2000, 128>}, {transform_indices = @transform_2, window_bounds = array<i64: 2000, 128>}, {transform_indices = @transform_3, window_bounds = array<i64: 2000, 128>}, {pipeline_mode = #tpu.pipeline_mode<synchronous>, transform_indices = @transform_4, window_bounds = array<i64: 128, 128>}, {pipeline_mode = #tpu.pipeline_mode<synchronous>, transform_indices = @transform_5, window_bounds = array<i64: 1, 128>}, {pipeline_mode = #tpu.pipeline_mode<synchronous>, transform_indices = @transform_6, window_bounds = array<i64: 128, 128>}, {pipeline_mode = #tpu.pipeline_mode<synchronous>, transform_indices = @transform_7, window_bounds = array<i64: 1, 128>}, {pipeline_mode = #tpu.pipeline_mode<synchronous>, transform_indices = @transform_8, window_bounds = array<i64: 128, 128>}, {pipeline_mode = #tpu.pipeline_mode<synchronous>, transform_indices = @transform_9, window_bounds = array<i64: 1, 128>}, {pipeline_mode = #tpu.pipeline_mode<synchronous>, transform_indices = @transform_10, window_bounds = array<i64: 128, 128>}, {pipeline_mode = #tpu.pipeline_mode<synchronous>, transform_indices = @transform_11, window_bounds = array<i64: 1, 128>}, {transform_indices = @transform_12, window_bounds = array<i64: 3, 2000, 128>}]} {
    %get3A = arith.constant 0 : index
    %get3A_0 = arith.constant 0 : index
    %get3A_1 = vector.load %arg1[%get3A, %get3A_0] : memref<2000x128xf32, #tpu.memory_space<vmem>>, vector<2000x128xf32>
    %get3A_2 = arith.constant 0 : index
    %get3A_3 = arith.constant 0 : index
    %get3A_4 = vector.load %arg2[%get3A_2, %get3A_3] : memref<2000x128xf32, #tpu.memory_space<vmem>>, vector<2000x128xf32>
    %get3A_5 = arith.constant 0 : index
    %get3A_6 = arith.constant 0 : index
    %get3A_7 = vector.load %arg3[%get3A_5, %get3A_6] : memref<2000x128xf32, #tpu.memory_space<vmem>>, vector<2000x128xf32>
    %get3A_8 = arith.constant 0 : index
    %get3A_9 = arith.constant 0 : index
    %get3A_10 = vector.load %arg4[%get3A_8, %get3A_9] : memref<2000x128xf32, #tpu.memory_space<vmem>>, vector<2000x128xf32>
    %add3A = arith.addf %get3A_4, %get3A_7 : vector<2000x128xf32>
    %add3A_11 = arith.addf %add3A, %get3A_10 : vector<2000x128xf32>
    %get3A_12 = arith.constant 0 : index
    %get3A_13 = arith.constant 0 : index
    %get3A_14 = vector.load %arg5[%get3A_12, %get3A_13] : memref<128x128xf32, #tpu.memory_space<vmem>>, vector<128x128xf32>
    %get3A_15 = arith.constant 0 : index
    %get3A_16 = arith.constant 0 : index
    %get3A_17 = vector.load %arg6[%get3A_15, %get3A_16] : memref<1x128xf32, #tpu.memory_space<vmem>>, vector<1x128xf32>
    %get3A_18 = arith.constant 0 : index
    %get3A_19 = arith.constant 0 : index
    %get3A_20 = vector.load %arg7[%get3A_18, %get3A_19] : memref<128x128xf32, #tpu.memory_space<vmem>>, vector<128x128xf32>
    %get3A_21 = arith.constant 0 : index
    %get3A_22 = arith.constant 0 : index
    %get3A_23 = vector.load %arg8[%get3A_21, %get3A_22] : memref<1x128xf32, #tpu.memory_space<vmem>>, vector<1x128xf32>
    %get3A_24 = arith.constant 0 : index
    %get3A_25 = arith.constant 0 : index
    %get3A_26 = vector.load %arg9[%get3A_24, %get3A_25] : memref<128x128xf32, #tpu.memory_space<vmem>>, vector<128x128xf32>
    %get3A_27 = arith.constant 0 : index
    %get3A_28 = arith.constant 0 : index
    %get3A_29 = vector.load %arg10[%get3A_27, %get3A_28] : memref<1x128xf32, #tpu.memory_space<vmem>>, vector<1x128xf32>
    %get3A_30 = arith.constant 0 : index
    %get3A_31 = arith.constant 0 : index
    %get3A_32 = vector.load %arg11[%get3A_30, %get3A_31] : memref<128x128xf32, #tpu.memory_space<vmem>>, vector<128x128xf32>
    %get3A_33 = arith.constant 0 : index
    %get3A_34 = arith.constant 0 : index
    %get3A_35 = vector.load %arg12[%get3A_33, %get3A_34] : memref<1x128xf32, #tpu.memory_space<vmem>>, vector<1x128xf32>
    %add3A_36 = arith.addf %get3A_1, %get3A_4 : vector<2000x128xf32>
    %dot_general3A = arith.constant dense<0.000000e+00> : vector<2000x128xf32>
    %dot_general3A_37 = tpu.matmul %add3A_36, %get3A_14, %dot_general3A {dimension_numbers = #tpu.dot_dimension_numbers<[1], [0], [0], [1], [0, 0, 1, 1], [], []>, transpose_lhs_hint = false} : vector<2000x128xf32>, vector<128x128xf32>, vector<2000x128xf32> -> vector<2000x128xf32>
    %add3A_38 = vector.broadcast %get3A_17 : vector<1x128xf32> to vector<2000x128xf32>
    %add3A_39 = arith.addf %dot_general3A_37, %add3A_38 : vector<2000x128xf32>
    %max3A = arith.constant 0.000000e+00 : f32
    %max3A_40 = vector.broadcast %max3A : f32 to vector<2000x128xf32>
    %max3A_41 = arith.maximumf %add3A_39, %max3A_40 : vector<2000x128xf32>
    %dot_general3A_42 = arith.constant dense<0.000000e+00> : vector<2000x128xf32>
    %dot_general3A_43 = tpu.matmul %max3A_41, %get3A_20, %dot_general3A_42 {dimension_numbers = #tpu.dot_dimension_numbers<[1], [0], [0], [1], [0, 0, 1, 1], [], []>, transpose_lhs_hint = false} : vector<2000x128xf32>, vector<128x128xf32>, vector<2000x128xf32> -> vector<2000x128xf32>
    %add3A_44 = vector.broadcast %get3A_23 : vector<1x128xf32> to vector<2000x128xf32>
    %add3A_45 = arith.addf %dot_general3A_43, %add3A_44 : vector<2000x128xf32>
    %sub3A = arith.subf %add3A_11, %get3A_4 : vector<2000x128xf32>
    %add3A_46 = arith.addf %get3A_1, %sub3A : vector<2000x128xf32>
    %dot_general3A_47 = arith.constant dense<0.000000e+00> : vector<2000x128xf32>
    %dot_general3A_48 = tpu.matmul %add3A_46, %get3A_26, %dot_general3A_47 {dimension_numbers = #tpu.dot_dimension_numbers<[1], [0], [0], [1], [0, 0, 1, 1], [], []>, transpose_lhs_hint = false} : vector<2000x128xf32>, vector<128x128xf32>, vector<2000x128xf32> -> vector<2000x128xf32>
    %add3A_49 = vector.broadcast %get3A_29 : vector<1x128xf32> to vector<2000x128xf32>
    %add3A_50 = arith.addf %dot_general3A_48, %add3A_49 : vector<2000x128xf32>
    %max3A_51 = arith.constant 0.000000e+00 : f32
    %max3A_52 = vector.broadcast %max3A_51 : f32 to vector<2000x128xf32>
    %max3A_53 = arith.maximumf %add3A_50, %max3A_52 : vector<2000x128xf32>
    %dot_general3A_54 = arith.constant dense<0.000000e+00> : vector<2000x128xf32>
    %dot_general3A_55 = tpu.matmul %max3A_53, %get3A_32, %dot_general3A_54 {dimension_numbers = #tpu.dot_dimension_numbers<[1], [0], [0], [1], [0, 0, 1, 1], [], []>, transpose_lhs_hint = false} : vector<2000x128xf32>, vector<128x128xf32>, vector<2000x128xf32> -> vector<2000x128xf32>
    %add3A_56 = vector.broadcast %get3A_35 : vector<1x128xf32> to vector<2000x128xf32>
    %add3A_57 = arith.addf %dot_general3A_55, %add3A_56 : vector<2000x128xf32>
    %add3A_58 = arith.addf %add3A_45, %add3A_57 : vector<2000x128xf32>
    %swap3A = arith.constant 0 : index
    %swap3A_59 = arith.constant 0 : index
    %swap3A_60 = arith.constant 0 : index
    %swap3A_61 = vector.load %arg13[%swap3A, %swap3A_59, %swap3A_60] : memref<3x2000x128xf32, #tpu.memory_space<vmem>>, vector<1x2000x128xf32>
    %swap3A_62 = vector.shape_cast %swap3A_61 : vector<1x2000x128xf32> to vector<2000x128xf32>
    %swap3A_63 = vector.shape_cast %add3A_58 : vector<2000x128xf32> to vector<1x2000x128xf32>
    tpu.vector_store %arg13[%swap3A, %swap3A_59, %swap3A_60], %swap3A_63 {strides = array<i32>} : memref<3x2000x128xf32, #tpu.memory_space<vmem>>, vector<1x2000x128xf32>,
    %add3A_64 = arith.addf %get3A_1, %get3A_7 : vector<2000x128xf32>
    %dot_general3A_65 = arith.constant dense<0.000000e+00> : vector<2000x128xf32>
    %dot_general3A_66 = tpu.matmul %add3A_64, %get3A_14, %dot_general3A_65 {dimension_numbers = #tpu.dot_dimension_numbers<[1], [0], [0], [1], [0, 0, 1, 1], [], []>, transpose_lhs_hint = false} : vector<2000x128xf32>, vector<128x128xf32>, vector<2000x128xf32> -> vector<2000x128xf32>
    %add3A_67 = vector.broadcast %get3A_17 : vector<1x128xf32> to vector<2000x128xf32>
    %add3A_68 = arith.addf %dot_general3A_66, %add3A_67 : vector<2000x128xf32>
    %max3A_69 = arith.constant 0.000000e+00 : f32
    %max3A_70 = vector.broadcast %max3A_69 : f32 to vector<2000x128xf32>
    %max3A_71 = arith.maximumf %add3A_68, %max3A_70 : vector<2000x128xf32>
    %dot_general3A_72 = arith.constant dense<0.000000e+00> : vector<2000x128xf32>
    %dot_general3A_73 = tpu.matmul %max3A_71, %get3A_20, %dot_general3A_72 {dimension_numbers = #tpu.dot_dimension_numbers<[1], [0], [0], [1], [0, 0, 1, 1], [], []>, transpose_lhs_hint = false} : vector<2000x128xf32>, vector<128x128xf32>, vector<2000x128xf32> -> vector<2000x128xf32>
    %add3A_74 = vector.broadcast %get3A_23 : vector<1x128xf32> to vector<2000x128xf32>
    %add3A_75 = arith.addf %dot_general3A_73, %add3A_74 : vector<2000x128xf32>
    %sub3A_76 = arith.subf %add3A_11, %get3A_7 : vector<2000x128xf32>
    %add3A_77 = arith.addf %get3A_1, %sub3A_76 : vector<2000x128xf32>
    %dot_general3A_78 = arith.constant dense<0.000000e+00> : vector<2000x128xf32>
    %dot_general3A_79 = tpu.matmul %add3A_77, %get3A_26, %dot_general3A_78 {dimension_numbers = #tpu.dot_dimension_numbers<[1], [0], [0], [1], [0, 0, 1, 1], [], []>, transpose_lhs_hint = false} : vector<2000x128xf32>, vector<128x128xf32>, vector<2000x128xf32> -> vector<2000x128xf32>
    %add3A_80 = vector.broadcast %get3A_29 : vector<1x128xf32> to vector<2000x128xf32>
    %add3A_81 = arith.addf %dot_general3A_79, %add3A_80 : vector<2000x128xf32>
    %max3A_82 = arith.constant 0.000000e+00 : f32
    %max3A_83 = vector.broadcast %max3A_82 : f32 to vector<2000x128xf32>
    %max3A_84 = arith.maximumf %add3A_81, %max3A_83 : vector<2000x128xf32>
    %dot_general3A_85 = arith.constant dense<0.000000e+00> : vector<2000x128xf32>
    %dot_general3A_86 = tpu.matmul %max3A_84, %get3A_32, %dot_general3A_85 {dimension_numbers = #tpu.dot_dimension_numbers<[1], [0], [0], [1], [0, 0, 1, 1], [], []>, transpose_lhs_hint = false} : vector<2000x128xf32>, vector<128x128xf32>, vector<2000x128xf32> -> vector<2000x128xf32>
    %add3A_87 = vector.broadcast %get3A_35 : vector<1x128xf32> to vector<2000x128xf32>
    %add3A_88 = arith.addf %dot_general3A_86, %add3A_87 : vector<2000x128xf32>
    %add3A_89 = arith.addf %add3A_75, %add3A_88 : vector<2000x128xf32>
    %swap3A_90 = arith.constant 1 : index
    %swap3A_91 = arith.constant 0 : index
    %swap3A_92 = arith.constant 0 : index
    %swap3A_93 = vector.load %arg13[%swap3A_90, %swap3A_91, %swap3A_92] : memref<3x2000x128xf32, #tpu.memory_space<vmem>>, vector<1x2000x128xf32>
    %swap3A_94 = vector.shape_cast %swap3A_93 : vector<1x2000x128xf32> to vector<2000x128xf32>
    %swap3A_95 = vector.shape_cast %add3A_89 : vector<2000x128xf32> to vector<1x2000x128xf32>
    tpu.vector_store %arg13[%swap3A_90, %swap3A_91, %swap3A_92], %swap3A_95 {strides = array<i32>} : memref<3x2000x128xf32, #tpu.memory_space<vmem>>, vector<1x2000x128xf32>,
    %add3A_96 = arith.addf %get3A_1, %get3A_10 : vector<2000x128xf32>
    %dot_general3A_97 = arith.constant dense<0.000000e+00> : vector<2000x128xf32>
    %dot_general3A_98 = tpu.matmul %add3A_96, %get3A_14, %dot_general3A_97 {dimension_numbers = #tpu.dot_dimension_numbers<[1], [0], [0], [1], [0, 0, 1, 1], [], []>, transpose_lhs_hint = false} : vector<2000x128xf32>, vector<128x128xf32>, vector<2000x128xf32> -> vector<2000x128xf32>
    %add3A_99 = vector.broadcast %get3A_17 : vector<1x128xf32> to vector<2000x128xf32>
    %add3A_100 = arith.addf %dot_general3A_98, %add3A_99 : vector<2000x128xf32>
    %max3A_101 = arith.constant 0.000000e+00 : f32
    %max3A_102 = vector.broadcast %max3A_101 : f32 to vector<2000x128xf32>
    %max3A_103 = arith.maximumf %add3A_100, %max3A_102 : vector<2000x128xf32>
    %dot_general3A_104 = arith.constant dense<0.000000e+00> : vector<2000x128xf32>
    %dot_general3A_105 = tpu.matmul %max3A_103, %get3A_20, %dot_general3A_104 {dimension_numbers = #tpu.dot_dimension_numbers<[1], [0], [0], [1], [0, 0, 1, 1], [], []>, transpose_lhs_hint = false} : vector<2000x128xf32>, vector<128x128xf32>, vector<2000x128xf32> -> vector<2000x128xf32>
    %add3A_106 = vector.broadcast %get3A_23 : vector<1x128xf32> to vector<2000x128xf32>
    %add3A_107 = arith.addf %dot_general3A_105, %add3A_106 : vector<2000x128xf32>
    %sub3A_108 = arith.subf %add3A_11, %get3A_10 : vector<2000x128xf32>
    %add3A_109 = arith.addf %get3A_1, %sub3A_108 : vector<2000x128xf32>
    %dot_general3A_110 = arith.constant dense<0.000000e+00> : vector<2000x128xf32>
    %dot_general3A_111 = tpu.matmul %add3A_109, %get3A_26, %dot_general3A_110 {dimension_numbers = #tpu.dot_dimension_numbers<[1], [0], [0], [1], [0, 0, 1, 1], [], []>, transpose_lhs_hint = false} : vector<2000x128xf32>, vector<128x128xf32>, vector<2000x128xf32> -> vector<2000x128xf32>
    %add3A_112 = vector.broadcast %get3A_29 : vector<1x128xf32> to vector<2000x128xf32>
    %add3A_113 = arith.addf %dot_general3A_111, %add3A_112 : vector<2000x128xf32>
    %max3A_114 = arith.constant 0.000000e+00 : f32
    %max3A_115 = vector.broadcast %max3A_114 : f32 to vector<2000x128xf32>
    %max3A_116 = arith.maximumf %add3A_113, %max3A_115 : vector<2000x128xf32>
    %dot_general3A_117 = arith.constant dense<0.000000e+00> : vector<2000x128xf32>
    %dot_general3A_118 = tpu.matmul %max3A_116, %get3A_32, %dot_general3A_117 {dimension_numbers = #tpu.dot_dimension_numbers<[1], [0], [0], [1], [0, 0, 1, 1], [], []>, transpose_lhs_hint = false} : vector<2000x128xf32>, vector<128x128xf32>, vector<2000x128xf32> -> vector<2000x128xf32>
    %add3A_119 = vector.broadcast %get3A_35 : vector<1x128xf32> to vector<2000x128xf32>
    %add3A_120 = arith.addf %dot_general3A_118, %add3A_119 : vector<2000x128xf32>
    %add3A_121 = arith.addf %add3A_107, %add3A_120 : vector<2000x128xf32>
    %swap3A_122 = arith.constant 2 : index
    %swap3A_123 = arith.constant 0 : index
    %swap3A_124 = arith.constant 0 : index
    %swap3A_125 = vector.load %arg13[%swap3A_122, %swap3A_123, %swap3A_124] : memref<3x2000x128xf32, #tpu.memory_space<vmem>>, vector<1x2000x128xf32>
    %swap3A_126 = vector.shape_cast %swap3A_125 : vector<1x2000x128xf32> to vector<2000x128xf32>
    %swap3A_127 = vector.shape_cast %add3A_121 : vector<2000x128xf32> to vector<1x2000x128xf32>
    tpu.vector_store %arg13[%swap3A_122, %swap3A_123, %swap3A_124], %swap3A_127 {strides = array<i32>} : memref<3x2000x128xf32, #tpu.memory_space<vmem>>, vector<1x2000x128xf32>,
    return
  }
  func.func @transform_0(%arg0: i32) -> (i32, i32) {
    %c0_i32 = arith.constant 0 : i32
    %c0_i32_0 = arith.constant 0 : i32
    return %arg0, %c0_i32 : i32, i32
  }
  func.func @transform_1(%arg0: i32) -> (i32, i32) {
    %add3A = arith.constant 0 : i32
    %add3A_0 = arith.addi %add3A, %arg0 : i32
    %c0_i32 = arith.constant 0 : i32
    %c0_i32_1 = arith.constant 0 : i32
    return %add3A_0, %c0_i32 : i32, i32
  }
  func.func @transform_2(%arg0: i32) -> (i32, i32) {
    %add3A = arith.constant 5 : i32
    %add3A_0 = arith.addi %add3A, %arg0 : i32
    %c0_i32 = arith.constant 0 : i32
    %c0_i32_1 = arith.constant 0 : i32
    return %add3A_0, %c0_i32 : i32, i32
  }
  func.func @transform_3(%arg0: i32) -> (i32, i32) {
    %add3A = arith.constant 10 : i32
    %add3A_0 = arith.addi %add3A, %arg0 : i32
    %c0_i32 = arith.constant 0 : i32
    %c0_i32_1 = arith.constant 0 : i32
    return %add3A_0, %c0_i32 : i32, i32
  }
  func.func @transform_4(%arg0: i32) -> (i32, i32) {
    %c0_i32 = arith.constant 0 : i32
    %c0_i32_0 = arith.constant 0 : i32
    %c0_i32_1 = arith.constant 0 : i32
    return %c0_i32, %c0_i32_0 : i32, i32
  }
  func.func @transform_5(%arg0: i32) -> (i32, i32) {
    %c0_i32 = arith.constant 0 : i32
    %c0_i32_0 = arith.constant 0 : i32
    %c0_i32_1 = arith.constant 0 : i32
    return %c0_i32, %c0_i32_0 : i32, i32
  }
  func.func @transform_6(%arg0: i32) -> (i32, i32) {
    %c0_i32 = arith.constant 0 : i32
    %c0_i32_0 = arith.constant 0 : i32
    %c0_i32_1 = arith.constant 0 : i32
    return %c0_i32, %c0_i32_0 : i32, i32
  }
  func.func @transform_7(%arg0: i32) -> (i32, i32) {
    %c0_i32 = arith.constant 0 : i32
    %c0_i32_0 = arith.constant 0 : i32
    %c0_i32_1 = arith.constant 0 : i32
    return %c0_i32, %c0_i32_0 : i32, i32
  }
  func.func @transform_8(%arg0: i32) -> (i32, i32) {
    %c0_i32 = arith.constant 0 : i32
    %c0_i32_0 = arith.constant 0 : i32
    %c0_i32_1 = arith.constant 0 : i32
    return %c0_i32, %c0_i32_0 : i32, i32
  }
  func.func @transform_9(%arg0: i32) -> (i32, i32) {
    %c0_i32 = arith.constant 0 : i32
    %c0_i32_0 = arith.constant 0 : i32
    %c0_i32_1 = arith.constant 0 : i32
    return %c0_i32, %c0_i32_0 : i32, i32
  }
  func.func @transform_10(%arg0: i32) -> (i32, i32) {
    %c0_i32 = arith.constant 0 : i32
    %c0_i32_0 = arith.constant 0 : i32
    %c0_i32_1 = arith.constant 0 : i32
    return %c0_i32, %c0_i32_0 : i32, i32
  }
  func.func @transform_11(%arg0: i32) -> (i32, i32) {
    %c0_i32 = arith.constant 0 : i32
    %c0_i32_0 = arith.constant 0 : i32
    %c0_i32_1 = arith.constant 0 : i32
    return %c0_i32, %c0_i32_0 : i32, i32
  }
  func.func @transform_12(%arg0: i32) -> (i32, i32, i32) {
    %c0_i32 = arith.constant 0 : i32
    %c0_i32_0 = arith.constant 0 : i32
    %c0_i32_1 = arith.constant 0 : i32
    return %c0_i32, %arg0, %c0_i32_0 : i32, i32, i32
  }
}

</mosaic_0001>

<sc_bundles>
// kernel: dssconv_sc_aggregate.3.cloned.1.call-start
scs
__scs_entry_jumppad:
0x0: {  	(pc) =	sbr.rel $0x88, $3  }
0x1: {  	(tag) =	ssettag $0x0;
	lr =	simm.s32 $0x1  }
0x2: {  	[smem:$0x3F96] =	sst lr;
	_ =	strace $0xD0000000  }
0x3: {  	_ = 	snop  }
0x4: {  	_ = 	snop  }
0x5: {  	_ = 	snop  }
0x6: {  	_ = 	snop  }
0x7: {  	_ = 	snop  }
__scs_overlays_trampoline_lowered:
0x8: {  	[smem:$0x3FA5] =	sst s0  }
0x9: {  	[smem:$0x3FA6] =	sst s1  }
0xa: {  	[smem:$0x3FA7] =	sst s2  }
0xb: {  	[smem:$0x3FA8] =	sst s3  }
0xc: {  	[smem:$0x3FA9] =	sst s4  }
0xd: {  	[smem:$0x3FAA] =	sst s5  }
0xe: {  	[smem:$0x3FAB] =	sst s6  }
0xf: {  	[smem:$0x3FAC] =	sst s7  }
0x10: {  	[smem:$0x3FAD] =	sst s8  }
0x11: {  	[smem:$0x3FAE] =	sst s9;
	s0 =	simm.s32 @!p0 $0x0  }
0x12: {  	s1 =	sld [smem:$0x3F94];
	s0 =	simm.s32 @p0 $0x1  }
0x13: {  	[smem:$0x3FAF] =	sst s0;
	s0 =	simm.s32 @!p1 $0x0  }
0x14: {  	s2 =	sld [smem:$0x3F93];
	s0 =	simm.s32 @p1 $0x1  }
0x15: {  	[smem:$0x3FB0] =	sst s0;
	s0 =	simm.s32 @!p2 $0x0  }
0x16: {  	s3 =	sld [smem:$0x3FDB];
	s0 =	simm.s32 @p2 $0x1  }
0x17: {  	s4 =	simm.s32 $0x1BF5;
	[smem:$0x3FB2] =	sst s0  }
0x18: {  	s0 =	sld [smem:$0x3F95];
	_ =	swait.ge [sflag:s4], $0x0  }
0x19: {  	s7 =	sld [smem:$0x3F96]  }
0x1a: {  	s8 =	sadd.s32 $0xFFFFE003, lr  }
0x1b: {  	s9 =	sadd.s32 $0xFFFFFEF7, lr;
	s5 =	simm.s32 $0xFFFFFFFF;
	p2 =	slt.u32 s8, $0xFFFFF086  }
0x1c: {  	p1 =	slt.u32 s9, $0xF7A;
	s5 =	simm.s32 @!p2 $0x0  }
0x1d: {  	s5 =	simm.s32 @p1 $0x1;
	p0 =	seq.s32 s7, s2  }
0x1e: {  	s7 =	smul.u32 @!p0 $0xF7A, s2;
	p2 =	seq.s32 @!p0 s5, $0x0  }
0x1f: {  	s9 =	smul.u32 $0xF7A, s1;
	s8 =	simm.s32 @!p0 $0x1BF5;
	p2 =	por !p2, p0  }
0x20: {  	[sflag:s8] =	ssyncset.s32 @!p0 $0xFFFFF086;
	s6 =	sadd.s32 @!p0 s3, s7;
	s7 =	simm.s32 @!p0 $0x108  }
0x21: {  	s3 =	sadd.s32 s3, s9;
	s6 =	sadd.s32 @!p0 $0x88, s6;
	s7 =	simm.s32 @p2 $0x1082  }
0x22: {  	[simem:s7], [sflag:s8] =	dma.local @!p0 [hbm:s6], $0xF7A  }
0x23: {  	s9 =	sor.u32 $0xD0000000, s2;
	s6 =	simm.s32 $0x108;
	_ =	swait.ge @!p0 [sflag:s8], $0x0  }
0x24: {  	s3 =	sadd.s32 $0x88, s3;
	s6 =	simm.s32 @!p1 $0x1082;
	[sflag:s4] =	ssyncset.s32 $0xFFFFF086  }
0x25: {  	[simem:s6], [sflag:s4] =	dma.local [hbm:s3], $0xF7A  }
0x26: {  	[smem:$0x3F96] =	sst s1;
	(tag) =	ssettag s2;
	_ =	strace s9  }
0x27: {  	s1 =	sld [smem:$0x3FA6]  }
0x28: {  	s2 =	sld [smem:$0x3FA7]  }
0x29: {  	s4 =	sld [smem:$0x3FA9]  }
0x2a: {  	p0 =	seq.s32 s5, $0x0;
	s5 =	sld [smem:$0x3FAA]  }
0x2b: {  	s6 =	sld [smem:$0x3FAB]  }
0x2c: {  	s7 =	sld [smem:$0x3FAC]  }
0x2d: {  	s3 =	simm.s32 $0x108;
	s8 =	sld [smem:$0x3FAD]  }
0x2e: {  	s3 =	simm.s32 @!p0 $0x1082;
	s9 =	sld [smem:$0x3FAE]  }
0x2f: {  	lr =	sadd.s32 s0, s3;
	s0 =	sld [smem:$0x3FA5]  }
0x30: {  	s3 =	sld [smem:$0x3FA8]  }
0x31: {  	[smem:$0x3FB1] =	sst s10  }
0x32: {  	s10 =	sld [smem:$0x3FAF];
	_ =	sdelay $0x3  }
0x33: {  	p0 =	seq.s32 s10, $0x1;
	s10 =	sld [smem:$0x3FB1];
	_ =	sdelay $0x3  }
0x34: {  	[smem:$0x3FB1] =	sst s10  }
0x35: {  	s10 =	sld [smem:$0x3FB0];
	_ =	sdelay $0x3  }
0x36: {  	p1 =	seq.s32 s10, $0x1;
	s10 =	sld [smem:$0x3FB1];
	_ =	sdelay $0x3  }
0x37: {  	[smem:$0x3FB1] =	sst s10  }
0x38: {  	s10 =	sld [smem:$0x3FB2]  }
0x39: {  	_ = 	snop;
	(pc) =	sbr.ind lr, $3  }
0x3a: {  	_ = 	snop  }
0x3b: {  	_ = 	snop  }
0x3c: {  	p2 =	seq.s32 s10, $0x1;
	s10 =	sld [smem:$0x3FB1]  }
0x3d: {  	_ =	shalt  }
0x3e: {  	_ =	shalt  }
0x3f: {  	_ =	shalt  }
0x40: {  	_ =	shalt  }
0x41: {  	_ =	shalt  }
0x42: {  	_ =	shalt  }
0x43: {  	_ =	shalt  }
0x44: {  	_ =	shalt  }
0x45: {  	_ =	shalt  }
0x46: {  	_ =	shalt  }
0x47: {  	_ =	shalt  }
0x48: {  	_ =	shalt  }
0x49: {  	_ =	shalt  }
0x4a: {  	_ =	shalt  }
0x4b: {  	_ =	shalt  }
0x4c: {  	_ =	shalt  }
0x4d: {  	_ =	shalt  }
0x4e: {  	_ =	shalt  }
0x4f: {  	_ =	shalt  }
0x50: {  	_ =	shalt  }
0x51: {  	_ =	shalt  }
0x52: {  	_ =	shalt  }
0x53: {  	_ =	shalt  }
0x54: {  	_ =	shalt  }
0x55: {  	_ =	shalt  }
0x56: {  	_ =	shalt  }
0x57: {  	_ =	shalt  }
0x58: {  	_ =	shalt  }
0x59: {  	_ =	shalt  }
0x5a: {  	_ =	shalt  }
0x5b: {  	_ =	shalt  }
0x5c: {  	_ =	shalt  }
0x5d: {  	_ =	shalt  }
0x5e: {  	_ =	shalt  }
0x5f: {  	_ =	shalt  }
0x60: {  	_ =	shalt  }
0x61: {  	_ =	shalt  }
0x62: {  	_ =	shalt  }
0x63: {  	_ =	shalt  }
0x64: {  	_ =	shalt  }
0x65: {  	_ =	shalt  }
0x66: {  	_ =	shalt  }
0x67: {  	_ =	shalt  }
0x68: {  	_ =	shalt  }
0x69: {  	_ =	shalt  }
0x6a: {  	_ =	shalt  }
0x6b: {  	_ =	shalt  }
0x6c: {  	_ =	shalt  }
0x6d: {  	_ =	shalt  }
0x6e: {  	_ =	shalt  }
0x6f: {  	_ =	shalt  }
0x70: {  	_ =	shalt  }
0x71: {  	_ =	shalt  }
0x72: {  	_ =	shalt  }
0x73: {  	_ =	shalt  }
0x74: {  	_ =	shalt  }
0x75: {  	_ =	shalt  }
0x76: {  	_ =	shalt  }
0x77: {  	_ =	shalt  }
0x78: {  	_ =	shalt  }
0x79: {  	_ =	shalt  }
0x7a: {  	_ =	shalt  }
0x7b: {  	_ =	shalt  }
0x7c: {  	_ =	shalt  }
0x7d: {  	_ =	shalt  }
0x7e: {  	_ =	shalt  }
0x7f: {  	_ =	shalt  }
0x80: {  	_ =	shalt  }
0x81: {  	_ =	shalt  }
0x82: {  	_ =	shalt  }
0x83: {  	_ =	shalt  }
0x84: {  	_ =	shalt  }
0x85: {  	_ =	shalt  }
0x86: {  	_ =	shalt  }
0x87: {  	_ =	shalt  }
.Lfunc_end0:
.L_simem_size_0:
called_computation_lowered:
.L_overlay_start_0:
0x88: {  	s2 =	sld [smem:$0x3FD9]  }
0x89: {  	s3 =	sld [smem:$0x3FFE];
	_ =	sdelay $0x1  }
0x8a: {  	s1 =	srdreg.scid  }
0x8b: {  	s0 =	sand.u32 $0x1, s1  }
0x8c: {  	s17 =	sshll.u32 s0, $0xA;
	s2 =	sadd.s32 s3, s2  }
0x8d: {  	s2 =	sadd.s32 s2, s17  }
0x8e: {  	[smem:$0x3FBD] =	sst s2  }
0x8f: {  	_ = 	snop  }
0x90: {  	s2 =	sld [smem:$0x3FC7]  }
0x91: {  	s18 =	sld [smem:$0x3FD0];
	(tm) =	ssettm $0x1  }
0x92: {  	s4 =	sld [smem:$0x3FFB];
	_ =	sdelay $0x3  }
0x93: {  	_ =	strace s4  }
0x94: {  	s4 =	sld [smem:$0x3FFC];
	_ =	sdelay $0x3  }
0x95: {  	_ =	strace s4  }
0x96: {  	s4 =	sld [smem:$0x3FFD];
	_ =	sdelay $0x3  }
0x97: {  	_ =	strace s4  }
0x98: {  	_ =	strace $0x8FFFFFFF  }
0x99: {  	s19 =	sld [smem:$0x3FDB];
	_ =	sdelay $0x1  }
0x9a: {  	s5 =	simm.s32 $_scs_section_size  }
0x9b: {  	s6 =	simm.s32 $_size__tile_overlayer_lowered;
	s7 =	simm.s32 $_tile_overlayer_lowered  }
0x9c: {  	s22 =	simm.s32 $0x1BFF;
	s21 =	sshll.u32 s7, $0x1;
	s4 =	sadd.s32 s5, s19  }
0x9d: {  	s8 =	simm.s32 $0x0;
	s20 =	sshll.u32 s6, $0x1;
	s6 =	sadd.s32 s21, s4  }
0x9e: {  	[timem:s8], [sflag:s22] =	dma.local [hbm:s6], s20  }
0x9f: {  	_ =	swait.ge [sflag:s22], s20  }
0xa0: {  	s5 =	ssub.s32 $0x0, s20;
	[sflag:s22] =	ssyncset.done $0x0  }
0xa1: {  	[sflag:s22] =	ssyncadd.s32 s5;
	_ =	sdelay $0x1  }
0xa2: {  	s23 =	simm.s32 $0x1B8B  }
0xa3: {  	_ =	swait.ge [sflag:s23], $0x1  }
0xa4: {  	[sflag:s23] =	ssyncset.done $0x0  }
0xa5: {  	s25 =	simm.s32 $0x1B8E;
	s24 =	sld [smem:$0x3FFE];
	[sflag:s23] =	ssyncadd.s32 $0xFFFFFFFF  }
0xa6: {  	s26 =	simm.s32 $execute0_lowered;
	[smem:$0x3FD2] =	sst s25  }
0xa7: {  	s6 =	sshll.u32 s26, $0x1;
	_ =	strace $0x80000046;
	[dreg:$0x1] =	wrdreg $0xFFFFFFFF  }
0xa8: {  	s28 =	simm.s32 $_size_execute0_lowered;
	s4 =	sadd.s32 s4, s6;
	[dreg:$0x0] =	wrdreg $0x0  }
0xa9: {  	s6 =	sshll.u32 s28, $0x1;
	[dreg:$0x2] =	wrdreg s4  }
0xaa: {  	[dreg:$0x3] =	wrdreg s6  }
0xab: {  	[dreg:$0x4] =	wrdreg $0xC0  }
0xac: {  	_ =	task [dreg:s8], $0x5FFFF  }
0xad: {  	[dreg:$0x1] =	wrdreg $0xFFFFFFFF  }
0xae: {  	[dreg:$0x0] =	wrdreg $0x60  }
0xaf: {  	[dreg:$0x2] =	wrdreg s24  }
0xb0: {  	[dreg:$0x3] =	wrdreg s2  }
0xb1: {  	[dreg:$0x4] =	wrdreg s18  }
0xb2: {  	[dreg:$0x5] =	wrdreg $0x0  }
0xb3: {  	[dreg:$0x6] =	wrdreg $0x9  }
0xb4: {  	_ =	task.clear_ibuf [dreg:s8], $0x7FFFF;
	_ =	strace $0x90000046  }
0xb5: {  	s29 =	simm.s32 $0x9;
	_ =	strace $0x80000048  }
0xb6: {  	_ =	swait.ge [sflag:s29], $0x1  }
0xb7: {  	[sflag:s29] =	ssyncadd.s32 $0xFFFFFFFF  }
0xb8: {  	_ =	strace $0x90000048  }
0xb9: {  	_ =	sfence  }
0xba: {  	s30 =	sld [smem:$0x0];
	_ =	sdelay $0x2  }
0xbb: {  	s31 =	sshll.u32 s1, $0xD;
	s1 =	sshrl.u32 s1, $0x2  }
0xbc: {  	s3 =	sand.u32 $0x4000, s31;
	s1 =	sadd.s32 s1, s30  }
0xbd: {  	s0 =	sor.u32 s3, s0;
	s1 =	sshll.u32 s1, $0x11  }
0xbe: {  	s0 =	sor.u32 s1, s0  }
0xbf: {  	s0 =	sadd.s32 $0x8F2B, s0  }
0xc0: {  	[sflag:s0] =	ssyncadd.remote.s32 $0x1  }
0xc1: {  	_ =	sfence.sel $0xFFFF  }
0xc2: {  	[dreg:$0x0] =	wrdreg $0xFFFFFFFF;
	(pc) =	sbr.abs _section_cstart, $3  }
0xc3: {  	[dreg:$0x1] =	wrdreg $0xFFFFFFFF  }
0xc4: {  	_ =	task.clear_ibuf [dreg:s8], $0x2FFFF;
	_ =	strace $0x9FFFFFFF  }
0xc5: {  	(tm) =	ssettm $0x7FFFFFFF  }
tec
execute0_lowered:
.L_overlay_start_1:
0x0: {  	(tag) =	ssettag $0x1  }
0x1: {  	s0 =	rddreg [dreg:$0x0]  }
0x2: {  	s2 =	rddreg [dreg:$0x1]  }
0x3: {  	s4 =	rddreg [dreg:$0x2]  }
0x4: {  	s1 =	rddreg [dreg:$0x3];
	s11 =	stileid.u32  }
0x5: {  	s3 =	srdreg.scid;
	s28 =	simm.s32 $0x1D650;
	s6 =	smul.u32 $0x1D4C0, s11  }
0x6: {  	s29 =	simm.s32 $0x2;
	s30 =	simm.s32 $0x1EB40;
	s10 =	smul.u32 $0x4E20, s11  }
0x7: {  	s31 =	simm.s32 $0x3;
	s7 =	sand.u32 $0x1, s3;
	s23 =	smul.u32 $0x3A980, s11  }
0x8: {  	s3 =	simm.s32 $0x0;
	s16 =	sadd.s32 $0x1E00, s0;
	s25 =	smul.u32 $0x9C4, s11  }
0x9: {  	s20 =	sshll.u32 s11, $0x6;
	s5 =	smul.u32 $0x13880, s7;
	[smem:$0x7FF] =	sst s3  }
0xa: {  	s9 =	ssub.s32 $0x2, s7;
	s7 =	sshll.u32 s7, $0x6;
	_ =	strace $0x80000047  }
0xb: {  	s17 =	sshrl.u32 s6, $0x3;
	s18 =	sshrl.u32 s9, $0x1;
	s19 =	sshrl.u32 s10, $0x3  }
0xc: {  	s15 =	sadd.s32 s25, s2;
	s8 =	sadd.s32 s5, s0;
	s0 =	sadd.s32 s17, s0  }
0xd: {  	s14 =	ssub.s32 s9, s18;
	s17 =	sadd.s32 s6, s1;
	s21 =	sadd.s32 s16, s19  }
0xe: {  	s6 =	sor.u32 $0x1C07, s20;
	s10 =	sadd.s32 s2, s19;
	s12 =	sadd.s32 $0xA, s19  }
0xf: {  	s18 =	simm.s32 $0x7;
	s19 =	simm.s32 $0x1D4C0;
	s20 =	simm.s32 $0x1D6F0  }
0x10: {  	s0 =	sadd.s32 $0x15800, s0;
	s22 =	sadd.s32 $0x9C40, s21;
	[dreg:$0x8] =	wrdreg s10  }
0x11: {  	s9 =	sadd.s32 $0x50200, s8;
	s24 =	sadd.s32 s16, s12;
	[dreg:$0x6] =	wrdreg s21  }
0x12: {  	s5 =	sadd.s32 $0x9C4A, s21;
	s26 =	sadd.s32 s2, s12;
	[dreg:$0x5] =	wrdreg s0  }
0x13: {  	s14 =	smax.u32 s14, $0x1;
	s16 =	sadd.s32 s25, s16;
	[dreg:$0x7] =	wrdreg s22  }
0x14: {  	s17 =	sshrl.u32 s17, $0x3;
	s25 =	simm.s32 $0x1D510;
	[dreg:$0x9] =	wrdreg s24  }
.Ltmp0:
0x15: {  	s2 =	simm.s32 $0x4;
	[dreg:$0xa] =	wrdreg s5;
	(pc) =	sbr.rel .LBB2_1-.Ltmp0, $4  }
0x16: {  	s21 =	simm.s32 $0x5;
	s0 =	sor.u32 s7, s23;
	[dreg:$0xb] =	wrdreg s26  }
0x17: {  	s22 =	simm.s32 $0x1;
	s23 =	simm.s32 $0x50;
	s24 =	simm.s32 $0x1D740  }
0x18: {  	s26 =	simm.s32 $0x1D5B0;
	s7 =	simm.s32 $0x0;
	s0 =	sshrl.u32 s0, $0x3  }
0x19: {  	s13 =	sadd.s32 s4, s0;
	s0 =	simm.s32 $0x1D6A0;
	s4 =	simm.s32 $0x6  }
.LBB2_4:
0x1a: {  	_ =	swait.ge [sflag:s21], $0x1400  }
0x1b: {  	[sflag:s21] =	ssyncset.done $0x0  }
0x1c: {  	[sflag:s21] =	ssyncadd.s32 $0xFFFFEC00  }
0x1d: {  	_ =	swait.ge [sflag:s4], $0x1400  }
0x1e: {  	s7 =	sadd.s32 $0x1, s7;
	[sflag:s4] =	ssyncset.done $0x0  }
0x1f: {  	s5 =	simm.s32 $0x10;
	p0 =	sne.s32 s7, s14;
	[sflag:s4] =	ssyncadd.s32 $0xFFFFEC00  }
.Ltmp1:
0x20: {  	s8 =	simm.s32 $0x8;
	[bflag:$0x0] =	sbarrier.arrive $0xFFFF;
	(pc) =	sbr.rel @!p0 .LBB2_5-.Ltmp1, $4  }
0x21: {  	[hbm:s13@s5], [sflag:s6] =	dma.strided [spmem:s17@s8], $0x3A98, s22, $0x8   }
0x22: {  	_ =	swait.ge [sflag:s18], $0x3A98  }
0x23: {  	[sflag:s18] =	ssyncset.done $0x0  }
0x24: {  	[sflag:s18] =	ssyncadd.s32 $0xFFFFC568  }
.LBB2_1:
0x25: {  	s5 =	rddreg [dreg:$0x5]  }
0x26: {  	[spmem:s17], [sflag:s6] =	dma.local [hbm:s5], $0x3A98  }
0x27: {  	_ =	swait.ge [sflag:s18], $0x3A98  }
0x28: {  	[sflag:s18] =	ssyncset.done $0x0  }
0x29: {  	s8 =	rddreg [dreg:$0x6];
	[sflag:s18] =	ssyncadd.s32 $0xFFFFC568  }
0x2a: {  	[tilespmem:s19], [sflag:$0x1] =	stream.linear.gather [hbm4b:s8+s3], $0x50, $0x38;
	[tilespmem:$0x1FF40] =	vst v63  }
0x2b: {  	s10 =	rddreg [dreg:$0x7];
	s8 =	simm.s32 $0x1D560  }
0x2c: {  	[tilespmem:s8], [sflag:$0x1] =	stream.linear.gather [hbm4b:s10+s3], $0x50, $0x38;
	[tilespmem:$0x1FF40] =	vst v63  }
0x2d: {  	s12 =	simm.s32 $0x1D600;
	s11 =	rddreg [dreg:$0x8]  }
0x2e: {  	[tilespmem:s12], [sflag:$0x1] =	stream.linear.gather [hbm4b:s11+s3], $0x50, $0x38;
	[tilespmem:$0x1FF40] =	vst v63  }
0x2f: {  	_ =	swait.ge [sflag:s22], $0x50  }
0x30: {  	[sflag:s22] =	ssyncset.done $0x0  }
0x31: {  	[sflag:s22] =	ssyncadd.s32 $0xFFFFFFB0  }
0x32: {  	_ =	swait.ge [sflag:s22], $0x50  }
0x33: {  	[sflag:s22] =	ssyncset.done $0x0  }
0x34: {  	[sflag:s22] =	ssyncadd.s32 $0xFFFFFFB0  }
0x35: {  	_ =	swait.ge [sflag:s22], $0x50  }
0x36: {  	[sflag:s22] =	ssyncset.done $0x0  }
0x37: {  	[sflag:s22] =	ssyncadd.s32 $0xFFFFFFB0  }
0x38: {  	[tilespmem:s24], [sflag:$0x3] =	stream.indirect.gather [hbm4b:s9+s23], $0x40, s19, s23, $0xb8;
	[tilespmem:$0x1FF40] =	vst v63  }
0x39: {  	s10 =	rddreg [dreg:$0x9]  }
0x3a: {  	[tilespmem:s25], [sflag:$0x2] =	stream.linear.gather [hbm4b:s10+s3], $0x50, $0x38;
	[tilespmem:$0x1FF40] =	vst v63  }
0x3b: {  	s11 =	rddreg [dreg:$0xa]  }
0x3c: {  	[tilespmem:s26], [sflag:$0x2] =	stream.linear.gather [hbm4b:s11+s3], $0x50, $0x38;
	[tilespmem:$0x1FF40] =	vst v63  }
0x3d: {  	s12 =	rddreg [dreg:$0xb]  }
0x3e: {  	[tilespmem:s28], [sflag:$0x2] =	stream.linear.gather [hbm4b:s12+s3], $0x50, $0x38;
	[tilespmem:$0x1FF40] =	vst v63  }
0x3f: {  	s8 =	simm.s32 $0x0;
	[bflag:$0x0] =	sbarrier.arrive $0xFFFF  }
.LBB2_2:
0x40: {  	_ =	swait.ge [sflag:s29], $0x50  }
0x41: {  	[sflag:s29] =	ssyncset.done $0x0  }
0x42: {  	[sflag:s29] =	ssyncadd.s32 $0xFFFFFFB0  }
0x43: {  	_ =	swait.ge [sflag:s29], $0x50  }
0x44: {  	[sflag:s29] =	ssyncset.done $0x0  }
0x45: {  	[sflag:s29] =	ssyncadd.s32 $0xFFFFFFB0  }
0x46: {  	_ =	swait.ge [sflag:s29], $0x50  }
0x47: {  	p0 =	seq.s32 s8, $0x0;
	[sflag:s29] =	ssyncset.done $0x0  }
0x48: {  	s10 =	simm.s32 @!p0 $0x6;
	[sflag:s29] =	ssyncadd.s32 $0xFFFFFFB0  }
0x49: {  	_ =	swait.ge @!p0 [sflag:s10], $0x1400  }
0x4a: {  	[sflag:s10] =	ssyncset.done @!p0 $0x0  }
0x4b: {  	[sflag:s10] =	ssyncadd.s32 @!p0 $0xFFFFEC00  }
0x4c: {  	[tilespmem:s30], [sflag:$0x4] =	stream.indirect.gather [hbm4b:s9+s23], $0x40, s25, s23, $0xb8;
	[tilespmem:$0x1FF40] =	vst v63  }
0x4d: {  	_ =	swait.ge [sflag:s31], $0x1400  }
0x4e: {  	[sflag:s31] =	ssyncset.done $0x0  }
0x4f: {  	[sflag:s31] =	ssyncadd.s32 $0xFFFFEC00  }
0x50: {  	v0 =	vld [tilespmem:$0x1D560]  }
0x51: {  	v1 =	vld [tilespmem:$0x1D600]  }
0x52: {  	v2 =	vld [tilespmem:$0x1D570]  }
0x53: {  	v3 =	vld [tilespmem:$0x1D610]  }
0x54: {  	v4 =	vld [tilespmem:$0x1D580]  }
0x55: {  	v5 =	vld [tilespmem:$0x1D620]  }
0x56: {  	v6 =	vld [tilespmem:$0x1D630]  }
0x57: {  	v7 =	vld [tilespmem:$0x1D640]  }
0x58: {  	v8 =	vld [tilespmem:$0x1D590];
	v1 =	vmul.u32 $0x2710, v1  }
0x59: {  	v9 =	vld [tilespmem:$0x1D5A0];
	v3 =	vmul.u32 $0x2710, v3  }
0x5a: {  	v40 =	vmul.u32 $0x2710, v5;
	v0 =	vadd.s32 v0, v1  }
0x5b: {  	v42 =	vmul.u32 $0x2710, v6;
	v41 =	vadd.s32 v2, v3;
	[tilespmem:$0x1D6A0] =	vst v0  }
0x5c: {  	v44 =	vmul.u32 $0x2710, v7;
	v43 =	vadd.s32 v4, v40;
	[tilespmem:$0x1D6B0] =	vst v41  }
0x5d: {  	v45 =	vadd.s32 v8, v42;
	[tilespmem:$0x1D6C0] =	vst v43  }
0x5e: {  	p0 =	seq.s32 s8, $0x9B0;
	v46 =	vadd.s32 v9, v44;
	[tilespmem:$0x1D6D0] =	vst v45  }
0x5f: {  	s10 =	sadd.s32 @!p0 s8, s16;
	[tilespmem:$0x1D6E0] =	vst v46  }
0x60: {  	[spmem:s1] =	stream.indirect.scatter.add.f32 [tilespmem:s24], [sflag:$0x5], $0x40, s0, s23, $0xb8;
	[tilespmem:$0x1FF40] =	vst v63  }
0x61: {  	s5 =	simm.s32 @!p0 $0x0;
	s12 =	simm.s32 @!p0 $0x1D4C0;
	s11 =	sadd.s32 @!p0 $0x14, s10  }
0x62: {  	[tilespmem:s12], [sflag:$0x1] =	stream.linear.gather @!p0 [hbm4b:s11+s5], $0x50, $0x38;
	[tilespmem:$0x1FF40] =	vst v63  }
0x63: {  	s10 =	sadd.s32 @!p0 $0x9C54, s10;
	s11 =	simm.s32 @!p0 $0x1D560  }
0x64: {  	[tilespmem:s11], [sflag:$0x1] =	stream.linear.gather @!p0 [hbm4b:s10+s5], $0x50, $0x38;
	[tilespmem:$0x1FF40] =	vst v63  }
0x65: {  	s10 =	sadd.s32 @!p0 s8, s15  }
0x66: {  	s11 =	simm.s32 @!p0 $0x1D600;
	s10 =	sadd.s32 @!p0 $0x14, s10  }
0x67: {  	[tilespmem:s11], [sflag:$0x1] =	stream.linear.gather @!p0 [hbm4b:s10+s5], $0x50, $0x38;
	[tilespmem:$0x1FF40] =	vst v63  }
0x68: {  	s5 =	simm.s32 @!p0 $0x1  }
0x69: {  	_ =	swait.ge @!p0 [sflag:s5], $0x50  }
0x6a: {  	[sflag:s5] =	ssyncset.done @!p0 $0x0  }
0x6b: {  	[sflag:s5] =	ssyncadd.s32 @!p0 $0xFFFFFFB0  }
0x6c: {  	_ =	swait.ge @!p0 [sflag:s5], $0x50  }
0x6d: {  	[sflag:s5] =	ssyncset.done @!p0 $0x0  }
0x6e: {  	[sflag:s5] =	ssyncadd.s32 @!p0 $0xFFFFFFB0  }
0x6f: {  	_ =	swait.ge @!p0 [sflag:s5], $0x50  }
0x70: {  	[sflag:s5] =	ssyncset.done @!p0 $0x0  }
0x71: {  	[sflag:s5] =	ssyncadd.s32 @!p0 $0xFFFFFFB0;
	s5 =	simm.s32 @!p0 $0x5  }
0x72: {  	_ =	swait.ge @!p0 [sflag:s5], $0x1400  }
0x73: {  	[sflag:s5] =	ssyncset.done @!p0 $0x0  }
0x74: {  	s10 =	simm.s32 @!p0 $0x1D740;
	[sflag:s5] =	ssyncadd.s32 @!p0 $0xFFFFEC00;
	s5 =	simm.s32 @!p0 $0x50  }
0x75: {  	[tilespmem:s10], [sflag:$0x3] =	stream.indirect.gather @!p0 [hbm4b:s9+s5], $0x40, s12, s5, $0xb8;
	[tilespmem:$0x1FF40] =	vst v63  }
0x76: {  	_ =	swait.ge [sflag:s2], $0x1400  }
0x77: {  	[sflag:s2] =	ssyncset.done $0x0  }
0x78: {  	[sflag:s2] =	ssyncadd.s32 $0xFFFFEC00  }
0x79: {  	v47 =	vld [tilespmem:$0x1D5B0]  }
0x7a: {  	v48 =	vld [tilespmem:$0x1D650]  }
0x7b: {  	v49 =	vld [tilespmem:$0x1D5C0]  }
0x7c: {  	v50 =	vld [tilespmem:$0x1D660]  }
0x7d: {  	v51 =	vld [tilespmem:$0x1D5D0]  }
0x7e: {  	v52 =	vld [tilespmem:$0x1D670]  }
0x7f: {  	v53 =	vld [tilespmem:$0x1D680]  }
0x80: {  	v54 =	vld [tilespmem:$0x1D690]  }
0x81: {  	v55 =	vld [tilespmem:$0x1D5E0];
	v1 =	vmul.u32 $0x2710, v48  }
0x82: {  	v56 =	vld [tilespmem:$0x1D5F0];
	v3 =	vmul.u32 $0x2710, v50  }
0x83: {  	v57 =	vmul.u32 $0x2710, v52;
	v0 =	vadd.s32 v47, v1  }
0x84: {  	v59 =	vmul.u32 $0x2710, v53;
	v58 =	vadd.s32 v49, v3;
	[tilespmem:$0x1D6F0] =	vst v0  }
.Ltmp2:
0x85: {  	v61 =	vmul.u32 $0x2710, v54;
	v60 =	vadd.s32 v51, v57;
	[tilespmem:$0x1D700] =	vst v58;
	(pc) =	sbr.rel @p0 .LBB2_4-.Ltmp2, $4  }
0x86: {  	v62 =	vadd.s32 v55, v59;
	[tilespmem:$0x1D710] =	vst v60  }
0x87: {  	v63 =	vadd.s32 v56, v61;
	[tilespmem:$0x1D720] =	vst v62  }
0x88: {  	[tilespmem:$0x1D730] =	vst v63  }
0x89: {  	[spmem:s1] =	stream.indirect.scatter.add.f32 [tilespmem:s30], [sflag:$0x6], $0x40, s20, s23, $0xb8;
	[tilespmem:$0x1FF40] =	vst v63  }
0x8a: {  	s5 =	sadd.s32 s8, s16  }
0x8b: {  	s10 =	sadd.s32 $0x1E, s5  }
0x8c: {  	[tilespmem:s25], [sflag:$0x2] =	stream.linear.gather [hbm4b:s10+s3], $0x50, $0x38;
	[tilespmem:$0x1FF40] =	vst v63  }
.Ltmp3:
0x8d: {  	_ = 	snop;
	(pc) =	sbr.rel .LBB2_2-.Ltmp3, $4  }
0x8e: {  	s12 =	sadd.s32 s8, s15;
	s5 =	sadd.s32 $0x9C5E, s5  }
0x8f: {  	[tilespmem:s26], [sflag:$0x2] =	stream.linear.gather [hbm4b:s5+s3], $0x50, $0x38;
	[tilespmem:$0x1FF40] =	vst v63  }
0x90: {  	s8 =	sadd.s32 $0x14, s8;
	s5 =	sadd.s32 $0x1E, s12  }
0x91: {  	[tilespmem:s28], [sflag:$0x2] =	stream.linear.gather [hbm4b:s5+s3], $0x50, $0x38;
	[tilespmem:$0x1FF40] =	vst v63  }
.LBB2_5:
0x92: {  	_ =	sfence.sel $0x180000  }
0x93: {  	[bflag:$0x0] =	sbarrier.arrive $0xFFFF  }
0x94: {  	_ =	strace $0x90000047  }
0x95: {  	s0 =	stileid.u32;
	[bflag:$0x2] =	sbarrier.arrive $0xFFFF  }
0x96: {  	p0 =	sne.s32 s0, $0x0;
	s0 =	rddreg [dreg:$0x4]  }
0x97: {  	s0 =	sadd.s32 @!p0 $0x100000, s0  }
0x98: {  	[sflag:s0] =	ssyncadd.tile.s32 @!p0 $0x1;
	_ =	shalt  }
.Lfunc_end2:
_tile_overlayer_lowered:
.L_overlay_start_2:
0x99: {  	(tag) =	ssettag $0x2  }
0x9a: {  	s0 =	rddreg [dreg:$0x0];
	s2 =	stileid.u32  }
0x9b: {  	s1 =	rddreg [dreg:$0x1];
	p0 =	sne.s32 s2, $0x0  }
0x9c: {  	s3 =	rddreg [dreg:$0x2];
	[bflag:$0x3] =	sbarrier.arrive $0xFFFF;
	s2 =	simm.s32 @!p0 $0x1C07  }
0x9d: {  	[timem:s3], [sflag:s2] =	dma.local @!p0 [hbm:s0], s1  }
0x9e: {  	s0 =	simm.s32 @!p0 $0x7  }
0x9f: {  	_ =	swait.ge @!p0 [sflag:s0], s1  }
0xa0: {  	s1 =	ssub.s32 @!p0 $0x0, s1;
	[sflag:s0] =	ssyncset.done @!p0 $0x0  }
0xa1: {  	[sflag:s0] =	ssyncadd.s32 @!p0 s1  }
0xa2: {  	[bflag:$0x3] =	sbarrier.arrive $0xFFFF  }
0xa3: {  	_ =	shalt  }

</sc_bundles>
